<compile_context>
chip_gen: v7x
topology: tpu7x:2x2x1
jax: 0.10.2.dev20260603
libtpu: 0.0.44.dev20260713+nightly
codegen_flags: <defaults>
</compile_context>

<pallas_src>
import functools
import math

import jax
import jax.numpy as jnp
from jax import lax
from jax.experimental import pallas as pl
from jax.experimental.pallas import tpu as pltpu
from jax.experimental.pallas import tpu_sc as plsc

A = 26
D = 16
C = 100000
B = 16384
TD = A * D

NC = 2
NS = 16
NW = NC * NS
UNITS = TD
UPW = UNITS // NW
SB = 8192

_LOG2PI = math.log(2.0 * math.pi)


def _sc_body(zt_hbm, sldj_hbm, meanst_hbm, labelst_hbm, out_hbm,
             row_v, z_v, lab_v, sldj_v, out_v, semz, semr):
    wid = lax.axis_index("s") * NC + lax.axis_index("c")
    sid = lax.axis_index("s")

    def unit_body(j, carry):
        acc, prev_i = carry
        jr = lax.rem(j + sid, UPW)
        u = wid * UPW + jr
        i = u // D
        d = u % D
        cz = pltpu.async_copy(zt_hbm.at[d * A + i, :], z_v, semz)
        cr = pltpu.async_copy(meanst_hbm.at[i, d, :], row_v, semr)

        def process_half(h, a):
            def group_body(g, aa):
                for k in range(8):
                    off = g * 128 + k * 16
                    lab = lab_v[pl.ds(off, 16)]
                    mu = plsc.load_gather(row_v, [lab])
                    vz = z_v[pl.ds(h * SB + off, 16)]
                    t = vz - mu
                    aa = aa + t * t
                return aa

            return lax.fori_loop(0, SB // 128, group_body, a)

        par = j % 2
        h_first = par
        h_second = 1 - par

        @pl.when(jnp.logical_or(j == 0, i != prev_i))
        def _():
            pltpu.sync_copy(labelst_hbm.at[i, pl.ds(h_first * SB, SB)], lab_v)

        cr.wait()
        cz.wait()
        acc = process_half(h_first, acc)
        pltpu.sync_copy(labelst_hbm.at[i, pl.ds(h_second * SB, SB)], lab_v)
        acc = process_half(h_second, acc)
        return acc, i

    zero = jnp.zeros((16,), jnp.float32)
    accq, _ = lax.fori_loop(0, UPW, unit_body, (zero, jnp.int32(-1)))

    pltpu.sync_copy(sldj_hbm.at[pl.ds(wid * (B // NW), B // NW)], sldj_v)

    def sldj_body(t, a):
        return a + sldj_v[pl.ds(t * 16, 16)]

    accs = lax.fori_loop(0, B // (NW * 16), sldj_body, zero)

    out_v[...] = accq * 0.5 - accs
    pltpu.sync_copy(out_v, out_hbm.at[wid])


@jax.jit
def _sc_partials(zt, sldj, meanst, labelst):
    mesh = plsc.VectorSubcoreMesh(core_axis_name="c", subcore_axis_name="s")
    run = functools.partial(
        pl.kernel,
        mesh=mesh,
        out_type=jax.ShapeDtypeStruct((NW, 16), jnp.float32),
        compiler_params=pltpu.CompilerParams(needs_layout_passes=False),
        scratch_types=[
            pltpu.VMEM((C,), jnp.float32),
            pltpu.VMEM((B,), jnp.float32),
            pltpu.VMEM((SB,), jnp.int32),
            pltpu.VMEM((B // NW,), jnp.float32),
            pltpu.VMEM((16,), jnp.float32),
            pltpu.SemaphoreType.DMA,
            pltpu.SemaphoreType.DMA,
        ],
    )(_sc_body)
    return run(zt, sldj, meanst, labelst)


def kernel(z, sldj, means, labels):
    zt = z.T
    meanst = jnp.transpose(means, (0, 2, 1))
    labelst = labels.T
    partials = _sc_partials(zt, sldj, meanst, labelst)
    return jnp.sum(partials) / B + 0.5 * TD * _LOG2PI

# --- scband reference (transcript-rebuilt; emitter-appended) ---
"""Pipeline reference for scband-checkerboard-gmm-25262997635224 (READ-ONLY COPY).

The authoritative reference and input builder live on the scoring server;
editing this copy changes nothing except your own understanding.
"""

import jax, jax.numpy as jnp
import numpy as np

NUM_ATTR = 26
DIMS_PER_ATTR = 16
NUM_CLASSES = 100000
BATCH = 16384
TOTAL_DIM = NUM_ATTR * DIMS_PER_ATTR
SCALE = 1.0


def setup_inputs(seed: int = 0) -> dict:
    key = jax.random.key(seed)
    k1, k2, k3, k4 = jax.random.split(key, 4)
    z = jax.random.normal(k1, (BATCH, TOTAL_DIM), dtype=jnp.float32)
    sldj = jax.random.normal(k2, (BATCH,), dtype=jnp.float32)
    labels = jax.random.randint(k3, (BATCH, NUM_ATTR), 0, NUM_CLASSES, dtype=jnp.int64 if jax.config.jax_enable_x64 else jnp.int32).astype(jnp.int32)
    # fixed (non-learnable) means, stacked: [num_attr, num_classes, dims_per_attr]
    means = jax.random.normal(k4, (NUM_ATTR, NUM_CLASSES, DIMS_PER_ATTR), dtype=jnp.float32) * SCALE
    return {"z": z, "sldj": sldj, "means": means, "labels": labels}


def reference(z, sldj, means, labels):
    # Faithful translation of CheckerboardGMM.get_loss
    z_flat = z.reshape(z.shape[0], -1)
    nll = jnp.zeros((z.shape[0],), dtype=jnp.float32)
    log2pi = np.log(2 * np.pi)
    for i in range(NUM_ATTR):
        z_subset = z_flat[:, i::NUM_ATTR]                 # [B, dims_per_attr]
        mu = jnp.take(means[i], labels[:, i], axis=0)     # embedding-style gather [B, dims_per_attr]
        diff = z_subset - mu
        nll = nll + 0.5 * jnp.sum(diff ** 2, axis=1) + 0.5 * DIMS_PER_ATTR * log2pi
    loss = jnp.mean(nll - sldj)
    return loss

if __name__ == "__main__":
    import jax
    _d = setup_inputs()
    print(jax.jit(kernel)(*tuple(_d.values())))

</pallas_src>

<mosaic_0001>
#map = affine_map<(d0, d1) -> (0, 0)>
#map1 = affine_map<(d0, d1) -> (0)>
#map2 = affine_map<(d0, d1) -> (0, 0, 0)>
module attributes {stable_mosaic.version = 14 : i64} {
  func.func @_sc_body(%arg0: i32, %arg1: i32, %arg2: memref<416x16384xf32, #tpu.memory_space<hbm>>, %arg3: memref<16384xf32, #tpu.memory_space<hbm>>, %arg4: memref<26x16x100000xf32, #tpu.memory_space<hbm>>, %arg5: memref<26x16384xi32, #tpu.memory_space<hbm>>, %arg6: memref<32x16xf32, #tpu.memory_space<hbm>>, %arg7: memref<100000xf32, #tpu.memory_space<vmem>>, %arg8: memref<16384xf32, #tpu.memory_space<vmem>>, %arg9: memref<8192xi32, #tpu.memory_space<vmem>>, %arg10: memref<512xf32, #tpu.memory_space<vmem>>, %arg11: memref<16xf32, #tpu.memory_space<vmem>>, %arg12: memref<!tpu.dma_semaphore, #tpu.memory_space<semaphore_mem>>, %arg13: memref<!tpu.dma_semaphore, #tpu.memory_space<semaphore_mem>>) attributes {dimension_semantics = [#tpu.dimension_semantics<core_parallel>, #tpu.dimension_semantics<subcore_parallel>], iteration_bounds = array<i64: 2, 16>, scalar_prefetch = 0 : i64, scratch_operands = 7 : i64, tpu.core_type = #tpu.core_type<sc_vector_subcore>, window_params = [{transform_indices = #map}, {transform_indices = #map1}, {transform_indices = #map2}, {transform_indices = #map}, {transform_indices = #map}]} {
    %mul3A = arith.constant 2 : i32
    %mul3A_0 = arith.muli %arg1, %mul3A : i32
    %add3A = arith.addi %mul3A_0, %arg0 : i32
    %broadcast_in_dim3A = arith.constant 0.000000e+00 : f32
    %broadcast_in_dim3A_1 = vector.broadcast %broadcast_in_dim3A : f32 to vector<16xf32>
    %scan3A = arith.constant -1 : i32
    %scan3A_2 = arith.constant 0 : i32
    %scan3A_3 = arith.constant 13 : i32
    %scan3A_4 = arith.addi %scan3A_2, %scan3A_3 : i32
    %scan3A_5 = arith.constant 1 : i32
    %scan3A_6:2 = scf.for %scan3A_20 = %scan3A_2 to %scan3A_4 step %scan3A_5 iter_args(%scan3A_21 = %broadcast_in_dim3A_1, %scan3A_22 = %scan3A) -> (vector<16xf32>, i32)  : i32 {
      %add3A_23 = arith.addi %scan3A_20, %arg1 : i32
      %rem3A = arith.constant 13 : i32
      %rem3A_24 = arith.remsi %add3A_23, %rem3A : i32
      %mul3A_25 = arith.constant 13 : i32
      %mul3A_26 = arith.muli %add3A, %mul3A_25 : i32
      %add3A_27 = arith.addi %mul3A_26, %rem3A_24 : i32
      %jit3A = arith.constant 16 : i32
      %div3A = arith.divsi %add3A_27, %jit3A : i32
      %sign3A = arith.constant 0 : i32
      %sign3A_28 = arith.cmpi sgt, %add3A_27, %sign3A : i32
      %sign3A_29 = arith.extui %sign3A_28 : i1 to i32
      %sign3A_30 = arith.constant 0 : i32
      %sign3A_31 = arith.cmpi slt, %add3A_27, %sign3A_30 : i32
      %sign3A_32 = arith.extui %sign3A_31 : i1 to i32
      %sign3A_33 = arith.subi %sign3A_29, %sign3A_32 : i32
      %sign3A_34 = arith.constant 0 : i32
      %sign3A_35 = arith.cmpi sgt, %jit3A, %sign3A_34 : i32
      %sign3A_36 = arith.extui %sign3A_35 : i1 to i32
      %sign3A_37 = arith.constant 0 : i32
      %sign3A_38 = arith.cmpi slt, %jit3A, %sign3A_37 : i32
      %sign3A_39 = arith.extui %sign3A_38 : i1 to i32
      %sign3A_40 = arith.subi %sign3A_36, %sign3A_39 : i32
      %ne3A = arith.cmpi ne, %sign3A_33, %sign3A_40 : i32
      %rem3A_41 = arith.remsi %add3A_27, %jit3A : i32
      %ne3A_42 = arith.constant 0 : i32
      %ne3A_43 = arith.cmpi ne, %rem3A_41, %ne3A_42 : i32
      %and3A = arith.andi %ne3A, %ne3A_43 : i1
      %sub3A_44 = arith.constant 1 : i32
      %sub3A_45 = arith.subi %div3A, %sub3A_44 : i32
      %select_n3A = arith.select %and3A, %sub3A_45, %div3A : i32
      %jit3A_46 = arith.constant 16 : i32
      %eq3A = arith.constant 0 : i32
      %eq3A_47 = arith.cmpi eq, %jit3A_46, %eq3A : i32
      %jit3A_48 = arith.constant 1 : i32
      %select_n3A_49 = arith.select %eq3A_47, %jit3A_48, %jit3A_46 : i32
      %rem3A_50 = arith.remsi %add3A_27, %select_n3A_49 : i32
      %ne3A_51 = arith.constant 0 : i32
      %ne3A_52 = arith.cmpi ne, %rem3A_50, %ne3A_51 : i32
      %lt3A = arith.constant 0 : i32
      %lt3A_53 = arith.cmpi slt, %rem3A_50, %lt3A : i32
      %lt3A_54 = arith.constant 0 : i32
      %lt3A_55 = arith.cmpi slt, %select_n3A_49, %lt3A_54 : i32
      %ne3A_56 = arith.xori %lt3A_53, %lt3A_55 : i1
      %and3A_57 = arith.andi %ne3A_56, %ne3A_52 : i1
      %add3A_58 = arith.addi %rem3A_50, %select_n3A_49 : i32
      %select_n3A_59 = arith.select %and3A_57, %add3A_58, %rem3A_50 : i32
      %mul3A_60 = arith.constant 26 : i32
      %mul3A_61 = arith.muli %select_n3A_59, %mul3A_60 : i32
      %add3A_62 = arith.addi %mul3A_61, %select_n3A : i32
      %dma_start3A = arith.constant 0 : i32
      %dma_start3A_63 = tpu.memref_slice %arg2[%add3A_62, %dma_start3A] : memref<416x16384xf32, #tpu.memory_space<hbm>> -> memref<1x16384xf32, #tpu.memory_space<hbm>>
      %dma_start3A_64 = tpu.memref_squeeze %dma_start3A_63 : memref<1x16384xf32, #tpu.memory_space<hbm>> -> memref<16384xf32, #tpu.memory_space<hbm>>
      %dma_start3A_65 = arith.constant 0 : i32
      %dma_start3A_66 = tpu.memref_slice %arg2[%add3A_62, %dma_start3A_65] : memref<416x16384xf32, #tpu.memory_space<hbm>> -> memref<1x16384xf32, #tpu.memory_space<hbm>>
      %dma_start3A_67 = tpu.memref_squeeze %dma_start3A_66 : memref<1x16384xf32, #tpu.memory_space<hbm>> -> memref<16384xf32, #tpu.memory_space<hbm>>
      tpu.enqueue_dma source(%dma_start3A_67 : memref<16384xf32, #tpu.memory_space<hbm>>) target(%arg8 : memref<16384xf32, #tpu.memory_space<vmem>>) target_semaphore(%arg12 : memref<!tpu.dma_semaphore, #tpu.memory_space<semaphore_mem>>)
      %dma_start3A_68 = arith.constant 0 : i32
      %dma_start3A_69 = tpu.memref_slice %arg4[%select_n3A, %select_n3A_59, %dma_start3A_68] : memref<26x16x100000xf32, #tpu.memory_space<hbm>> -> memref<1x1x100000xf32, #tpu.memory_space<hbm>>
      %dma_start3A_70 = tpu.memref_squeeze %dma_start3A_69 : memref<1x1x100000xf32, #tpu.memory_space<hbm>> -> memref<100000xf32, #tpu.memory_space<hbm>>
      %dma_start3A_71 = arith.constant 0 : i32
      %dma_start3A_72 = tpu.memref_slice %arg4[%select_n3A, %select_n3A_59, %dma_start3A_71] : memref<26x16x100000xf32, #tpu.memory_space<hbm>> -> memref<1x1x100000xf32, #tpu.memory_space<hbm>>
      %dma_start3A_73 = tpu.memref_squeeze %dma_start3A_72 : memref<1x1x100000xf32, #tpu.memory_space<hbm>> -> memref<100000xf32, #tpu.memory_space<hbm>>
      tpu.enqueue_dma source(%dma_start3A_73 : memref<100000xf32, #tpu.memory_space<hbm>>) target(%arg7 : memref<100000xf32, #tpu.memory_space<vmem>>) target_semaphore(%arg13 : memref<!tpu.dma_semaphore, #tpu.memory_space<semaphore_mem>>)
      %jit3A_74 = arith.constant 2 : i32
      %eq3A_75 = arith.constant 0 : i32
      %eq3A_76 = arith.cmpi eq, %jit3A_74, %eq3A_75 : i32
      %jit3A_77 = arith.constant 1 : i32
      %select_n3A_78 = arith.select %eq3A_76, %jit3A_77, %jit3A_74 : i32
      %rem3A_79 = arith.remsi %scan3A_20, %select_n3A_78 : i32
      %ne3A_80 = arith.constant 0 : i32
      %ne3A_81 = arith.cmpi ne, %rem3A_79, %ne3A_80 : i32
      %lt3A_82 = arith.constant 0 : i32
      %lt3A_83 = arith.cmpi slt, %rem3A_79, %lt3A_82 : i32
      %lt3A_84 = arith.constant 0 : i32
      %lt3A_85 = arith.cmpi slt, %select_n3A_78, %lt3A_84 : i32
      %ne3A_86 = arith.xori %lt3A_83, %lt3A_85 : i1
      %and3A_87 = arith.andi %ne3A_86, %ne3A_81 : i1
      %add3A_88 = arith.addi %rem3A_79, %select_n3A_78 : i32
      %select_n3A_89 = arith.select %and3A_87, %add3A_88, %rem3A_79 : i32
      %sub3A_90 = arith.constant 1 : i32
      %sub3A_91 = arith.subi %sub3A_90, %select_n3A_89 : i32
      %eq3A_92 = arith.constant 0 : i32
      %eq3A_93 = arith.cmpi eq, %scan3A_20, %eq3A_92 : i32
      %ne3A_94 = arith.cmpi ne, %select_n3A, %scan3A_22 : i32
      %or3A = arith.ori %eq3A_93, %ne3A_94 : i1
      %convert_element_type3A = arith.extui %or3A : i1 to i32
      %cond3A = arith.constant 0 : i32
      %cond3A_95 = arith.cmpi ne, %convert_element_type3A, %cond3A : i32
      scf.if %cond3A_95 {
        %mul3A_121 = arith.constant 8192 : i32
        %mul3A_122 = arith.muli %select_n3A_89, %mul3A_121 : i32
        "tpu.region"() ({
          %run_scoped3A = tpu.sem_alloc : memref<!tpu.dma_semaphore, #tpu.memory_space<semaphore_mem>>
          %dma_start3A_123 = tpu.memref_slice %arg5[%select_n3A, %mul3A_122] : memref<26x16384xi32, #tpu.memory_space<hbm>> -> memref<1x8192xi32, #tpu.memory_space<hbm>>
          %dma_start3A_124 = tpu.memref_squeeze %dma_start3A_123 : memref<1x8192xi32, #tpu.memory_space<hbm>> -> memref<8192xi32, #tpu.memory_space<hbm>>
          %dma_start3A_125 = tpu.memref_slice %arg5[%select_n3A, %mul3A_122] : memref<26x16384xi32, #tpu.memory_space<hbm>> -> memref<1x8192xi32, #tpu.memory_space<hbm>>
          %dma_start3A_126 = tpu.memref_squeeze %dma_start3A_125 : memref<1x8192xi32, #tpu.memory_space<hbm>> -> memref<8192xi32, #tpu.memory_space<hbm>>
          tpu.enqueue_dma source(%dma_start3A_126 : memref<8192xi32, #tpu.memory_space<hbm>>) target(%arg9 : memref<8192xi32, #tpu.memory_space<vmem>>) target_semaphore(%run_scoped3A : memref<!tpu.dma_semaphore, #tpu.memory_space<semaphore_mem>>)
          %dma_wait3A_127 = tpu.memref_slice %arg5[%select_n3A, %mul3A_122] : memref<26x16384xi32, #tpu.memory_space<hbm>> -> memref<1x8192xi32, #tpu.memory_space<hbm>>
          %dma_wait3A_128 = tpu.memref_squeeze %dma_wait3A_127 : memref<1x8192xi32, #tpu.memory_space<hbm>> -> memref<8192xi32, #tpu.memory_space<hbm>>
          %dma_wait3A_129 = tpu.memref_slice %arg5[%select_n3A, %mul3A_122] : memref<26x16384xi32, #tpu.memory_space<hbm>> -> memref<1x8192xi32, #tpu.memory_space<hbm>>
          %dma_wait3A_130 = tpu.memref_squeeze %dma_wait3A_129 : memref<1x8192xi32, #tpu.memory_space<hbm>> -> memref<8192xi32, #tpu.memory_space<hbm>>
          tpu.wait_dma2 semaphore(%run_scoped3A : memref<!tpu.dma_semaphore, #tpu.memory_space<semaphore_mem>>) src(%dma_wait3A_130 : memref<8192xi32, #tpu.memory_space<hbm>>) dst(%arg9 : memref<8192xi32, #tpu.memory_space<vmem>>)
          tpu.yield
        }) : () -> ()
      } else {
      }
      %dma_wait3A = arith.constant 0 : i32
      %dma_wait3A_96 = tpu.memref_slice %arg4[%select_n3A, %select_n3A_59, %dma_wait3A] : memref<26x16x100000xf32, #tpu.memory_space<hbm>> -> memref<1x1x100000xf32, #tpu.memory_space<hbm>>
      %dma_wait3A_97 = tpu.memref_squeeze %dma_wait3A_96 : memref<1x1x100000xf32, #tpu.memory_space<hbm>> -> memref<100000xf32, #tpu.memory_space<hbm>>
      %dma_wait3A_98 = arith.constant 0 : i32
      %dma_wait3A_99 = tpu.memref_slice %arg4[%select_n3A, %select_n3A_59, %dma_wait3A_98] : memref<26x16x100000xf32, #tpu.memory_space<hbm>> -> memref<1x1x100000xf32, #tpu.memory_space<hbm>>
      %dma_wait3A_100 = tpu.memref_squeeze %dma_wait3A_99 : memref<1x1x100000xf32, #tpu.memory_space<hbm>> -> memref<100000xf32, #tpu.memory_space<hbm>>
      tpu.wait_dma2 semaphore(%arg13 : memref<!tpu.dma_semaphore, #tpu.memory_space<semaphore_mem>>) src(%dma_wait3A_100 : memref<100000xf32, #tpu.memory_space<hbm>>) dst(%arg7 : memref<100000xf32, #tpu.memory_space<vmem>>)
      %dma_wait3A_101 = arith.constant 0 : i32
      %dma_wait3A_102 = tpu.memref_slice %arg2[%add3A_62, %dma_wait3A_101] : memref<416x16384xf32, #tpu.memory_space<hbm>> -> memref<1x16384xf32, #tpu.memory_space<hbm>>
      %dma_wait3A_103 = tpu.memref_squeeze %dma_wait3A_102 : memref<1x16384xf32, #tpu.memory_space<hbm>> -> memref<16384xf32, #tpu.memory_space<hbm>>
      %dma_wait3A_104 = arith.constant 0 : i32
      %dma_wait3A_105 = tpu.memref_slice %arg2[%add3A_62, %dma_wait3A_104] : memref<416x16384xf32, #tpu.memory_space<hbm>> -> memref<1x16384xf32, #tpu.memory_space<hbm>>
      %dma_wait3A_106 = tpu.memref_squeeze %dma_wait3A_105 : memref<1x16384xf32, #tpu.memory_space<hbm>> -> memref<16384xf32, #tpu.memory_space<hbm>>
      tpu.wait_dma2 semaphore(%arg12 : memref<!tpu.dma_semaphore, #tpu.memory_space<semaphore_mem>>) src(%dma_wait3A_106 : memref<16384xf32, #tpu.memory_space<hbm>>) dst(%arg8 : memref<16384xf32, #tpu.memory_space<vmem>>)
      %scan3A_107 = arith.constant 0 : i32
      %scan3A_108 = arith.constant 64 : i32
      %scan3A_109 = arith.addi %scan3A_107, %scan3A_108 : i32
      %scan3A_110 = arith.constant 1 : i32
      %scan3A_111 = scf.for %scan3A_121 = %scan3A_107 to %scan3A_109 step %scan3A_110 iter_args(%scan3A_122 = %scan3A_21) -> (vector<16xf32>)  : i32 {
        %mul3A_123 = arith.constant 128 : i32
        %mul3A_124 = arith.muli %scan3A_121, %mul3A_123 : i32
        %add3A_125 = arith.constant 0 : i32
        %add3A_126 = arith.addi %mul3A_124, %add3A_125 : i32
        %get3A = arith.index_cast %add3A_126 : i32 to index
        %get3A_127 = tpu.vector_load %arg9[%get3A] {strides = array<i32>} : memref<8192xi32, #tpu.memory_space<vmem>>, vector<16xi32>,
        %gather3A = tpu.vector_load_idx %arg7[%get3A_127] : memref<100000xf32, #tpu.memory_space<vmem>>[vector<16xi32>], vector<16xf32>,
        %mul3A_128 = arith.constant 8192 : i32
        %mul3A_129 = arith.muli %select_n3A_89, %mul3A_128 : i32
        %add3A_130 = arith.addi %mul3A_129, %add3A_126 : i32
        %get3A_131 = arith.index_cast %add3A_130 : i32 to index
        %get3A_132 = tpu.vector_load %arg8[%get3A_131] {strides = array<i32>} : memref<16384xf32, #tpu.memory_space<vmem>>, vector<16xf32>,
        %sub3A_133 = arith.subf %get3A_132, %gather3A : vector<16xf32>
        %mul3A_134 = arith.mulf %sub3A_133, %sub3A_133 : vector<16xf32>
        %add3A_135 = arith.addf %scan3A_122, %mul3A_134 : vector<16xf32>
        %mul3A_136 = arith.constant 128 : i32
        %mul3A_137 = arith.muli %scan3A_121, %mul3A_136 : i32
        %add3A_138 = arith.constant 16 : i32
        %add3A_139 = arith.addi %mul3A_137, %add3A_138 : i32
        %get3A_140 = arith.index_cast %add3A_139 : i32 to index
        %get3A_141 = tpu.vector_load %arg9[%get3A_140] {strides = array<i32>} : memref<8192xi32, #tpu.memory_space<vmem>>, vector<16xi32>,
        %gather3A_142 = tpu.vector_load_idx %arg7[%get3A_141] : memref<100000xf32, #tpu.memory_space<vmem>>[vector<16xi32>], vector<16xf32>,
        %mul3A_143 = arith.constant 8192 : i32
        %mul3A_144 = arith.muli %select_n3A_89, %mul3A_143 : i32
        %add3A_145 = arith.addi %mul3A_144, %add3A_139 : i32
        %get3A_146 = arith.index_cast %add3A_145 : i32 to index
        %get3A_147 = tpu.vector_load %arg8[%get3A_146] {strides = array<i32>} : memref<16384xf32, #tpu.memory_space<vmem>>, vector<16xf32>,
        %sub3A_148 = arith.subf %get3A_147, %gather3A_142 : vector<16xf32>
        %mul3A_149 = arith.mulf %sub3A_148, %sub3A_148 : vector<16xf32>
        %add3A_150 = arith.addf %add3A_135, %mul3A_149 : vector<16xf32>
        %mul3A_151 = arith.constant 128 : i32
        %mul3A_152 = arith.muli %scan3A_121, %mul3A_151 : i32
        %add3A_153 = arith.constant 32 : i32
        %add3A_154 = arith.addi %mul3A_152, %add3A_153 : i32
        %get3A_155 = arith.index_cast %add3A_154 : i32 to index
        %get3A_156 = tpu.vector_load %arg9[%get3A_155] {strides = array<i32>} : memref<8192xi32, #tpu.memory_space<vmem>>, vector<16xi32>,
        %gather3A_157 = tpu.vector_load_idx %arg7[%get3A_156] : memref<100000xf32, #tpu.memory_space<vmem>>[vector<16xi32>], vector<16xf32>,
        %mul3A_158 = arith.constant 8192 : i32
        %mul3A_159 = arith.muli %select_n3A_89, %mul3A_158 : i32
        %add3A_160 = arith.addi %mul3A_159, %add3A_154 : i32
        %get3A_161 = arith.index_cast %add3A_160 : i32 to index
        %get3A_162 = tpu.vector_load %arg8[%get3A_161] {strides = array<i32>} : memref<16384xf32, #tpu.memory_space<vmem>>, vector<16xf32>,
        %sub3A_163 = arith.subf %get3A_162, %gather3A_157 : vector<16xf32>
        %mul3A_164 = arith.mulf %sub3A_163, %sub3A_163 : vector<16xf32>
        %add3A_165 = arith.addf %add3A_150, %mul3A_164 : vector<16xf32>
        %mul3A_166 = arith.constant 128 : i32
        %mul3A_167 = arith.muli %scan3A_121, %mul3A_166 : i32
        %add3A_168 = arith.constant 48 : i32
        %add3A_169 = arith.addi %mul3A_167, %add3A_168 : i32
        %get3A_170 = arith.index_cast %add3A_169 : i32 to index
        %get3A_171 = tpu.vector_load %arg9[%get3A_170] {strides = array<i32>} : memref<8192xi32, #tpu.memory_space<vmem>>, vector<16xi32>,
        %gather3A_172 = tpu.vector_load_idx %arg7[%get3A_171] : memref<100000xf32, #tpu.memory_space<vmem>>[vector<16xi32>], vector<16xf32>,
        %mul3A_173 = arith.constant 8192 : i32
        %mul3A_174 = arith.muli %select_n3A_89, %mul3A_173 : i32
        %add3A_175 = arith.addi %mul3A_174, %add3A_169 : i32
        %get3A_176 = arith.index_cast %add3A_175 : i32 to index
        %get3A_177 = tpu.vector_load %arg8[%get3A_176] {strides = array<i32>} : memref<16384xf32, #tpu.memory_space<vmem>>, vector<16xf32>,
        %sub3A_178 = arith.subf %get3A_177, %gather3A_172 : vector<16xf32>
        %mul3A_179 = arith.mulf %sub3A_178, %sub3A_178 : vector<16xf32>
        %add3A_180 = arith.addf %add3A_165, %mul3A_179 : vector<16xf32>
        %mul3A_181 = arith.constant 128 : i32
        %mul3A_182 = arith.muli %scan3A_121, %mul3A_181 : i32
        %add3A_183 = arith.constant 64 : i32
        %add3A_184 = arith.addi %mul3A_182, %add3A_183 : i32
        %get3A_185 = arith.index_cast %add3A_184 : i32 to index
        %get3A_186 = tpu.vector_load %arg9[%get3A_185] {strides = array<i32>} : memref<8192xi32, #tpu.memory_space<vmem>>, vector<16xi32>,
        %gather3A_187 = tpu.vector_load_idx %arg7[%get3A_186] : memref<100000xf32, #tpu.memory_space<vmem>>[vector<16xi32>], vector<16xf32>,
        %mul3A_188 = arith.constant 8192 : i32
        %mul3A_189 = arith.muli %select_n3A_89, %mul3A_188 : i32
        %add3A_190 = arith.addi %mul3A_189, %add3A_184 : i32
        %get3A_191 = arith.index_cast %add3A_190 : i32 to index
        %get3A_192 = tpu.vector_load %arg8[%get3A_191] {strides = array<i32>} : memref<16384xf32, #tpu.memory_space<vmem>>, vector<16xf32>,
        %sub3A_193 = arith.subf %get3A_192, %gather3A_187 : vector<16xf32>
        %mul3A_194 = arith.mulf %sub3A_193, %sub3A_193 : vector<16xf32>
        %add3A_195 = arith.addf %add3A_180, %mul3A_194 : vector<16xf32>
        %mul3A_196 = arith.constant 128 : i32
        %mul3A_197 = arith.muli %scan3A_121, %mul3A_196 : i32
        %add3A_198 = arith.constant 80 : i32
        %add3A_199 = arith.addi %mul3A_197, %add3A_198 : i32
        %get3A_200 = arith.index_cast %add3A_199 : i32 to index
        %get3A_201 = tpu.vector_load %arg9[%get3A_200] {strides = array<i32>} : memref<8192xi32, #tpu.memory_space<vmem>>, vector<16xi32>,
        %gather3A_202 = tpu.vector_load_idx %arg7[%get3A_201] : memref<100000xf32, #tpu.memory_space<vmem>>[vector<16xi32>], vector<16xf32>,
        %mul3A_203 = arith.constant 8192 : i32
        %mul3A_204 = arith.muli %select_n3A_89, %mul3A_203 : i32
        %add3A_205 = arith.addi %mul3A_204, %add3A_199 : i32
        %get3A_206 = arith.index_cast %add3A_205 : i32 to index
        %get3A_207 = tpu.vector_load %arg8[%get3A_206] {strides = array<i32>} : memref<16384xf32, #tpu.memory_space<vmem>>, vector<16xf32>,
        %sub3A_208 = arith.subf %get3A_207, %gather3A_202 : vector<16xf32>
        %mul3A_209 = arith.mulf %sub3A_208, %sub3A_208 : vector<16xf32>
        %add3A_210 = arith.addf %add3A_195, %mul3A_209 : vector<16xf32>
        %mul3A_211 = arith.constant 128 : i32
        %mul3A_212 = arith.muli %scan3A_121, %mul3A_211 : i32
        %add3A_213 = arith.constant 96 : i32
        %add3A_214 = arith.addi %mul3A_212, %add3A_213 : i32
        %get3A_215 = arith.index_cast %add3A_214 : i32 to index
        %get3A_216 = tpu.vector_load %arg9[%get3A_215] {strides = array<i32>} : memref<8192xi32, #tpu.memory_space<vmem>>, vector<16xi32>,
        %gather3A_217 = tpu.vector_load_idx %arg7[%get3A_216] : memref<100000xf32, #tpu.memory_space<vmem>>[vector<16xi32>], vector<16xf32>,
        %mul3A_218 = arith.constant 8192 : i32
        %mul3A_219 = arith.muli %select_n3A_89, %mul3A_218 : i32
        %add3A_220 = arith.addi %mul3A_219, %add3A_214 : i32
        %get3A_221 = arith.index_cast %add3A_220 : i32 to index
        %get3A_222 = tpu.vector_load %arg8[%get3A_221] {strides = array<i32>} : memref<16384xf32, #tpu.memory_space<vmem>>, vector<16xf32>,
        %sub3A_223 = arith.subf %get3A_222, %gather3A_217 : vector<16xf32>
        %mul3A_224 = arith.mulf %sub3A_223, %sub3A_223 : vector<16xf32>
        %add3A_225 = arith.addf %add3A_210, %mul3A_224 : vector<16xf32>
        %mul3A_226 = arith.constant 128 : i32
        %mul3A_227 = arith.muli %scan3A_121, %mul3A_226 : i32
        %add3A_228 = arith.constant 112 : i32
        %add3A_229 = arith.addi %mul3A_227, %add3A_228 : i32
        %get3A_230 = arith.index_cast %add3A_229 : i32 to index
        %get3A_231 = tpu.vector_load %arg9[%get3A_230] {strides = array<i32>} : memref<8192xi32, #tpu.memory_space<vmem>>, vector<16xi32>,
        %gather3A_232 = tpu.vector_load_idx %arg7[%get3A_231] : memref<100000xf32, #tpu.memory_space<vmem>>[vector<16xi32>], vector<16xf32>,
        %mul3A_233 = arith.constant 8192 : i32
        %mul3A_234 = arith.muli %select_n3A_89, %mul3A_233 : i32
        %add3A_235 = arith.addi %mul3A_234, %add3A_229 : i32
        %get3A_236 = arith.index_cast %add3A_235 : i32 to index
        %get3A_237 = tpu.vector_load %arg8[%get3A_236] {strides = array<i32>} : memref<16384xf32, #tpu.memory_space<vmem>>, vector<16xf32>,
        %sub3A_238 = arith.subf %get3A_237, %gather3A_232 : vector<16xf32>
        %mul3A_239 = arith.mulf %sub3A_238, %sub3A_238 : vector<16xf32>
        %add3A_240 = arith.addf %add3A_225, %mul3A_239 : vector<16xf32>
        scf.yield %add3A_240 : vector<16xf32>
      }
      %scan3A_112 = arith.constant 64 : i32
      %mul3A_113 = arith.constant 8192 : i32
      %mul3A_114 = arith.muli %sub3A_91, %mul3A_113 : i32
      "tpu.region"() ({
        %run_scoped3A = tpu.sem_alloc : memref<!tpu.dma_semaphore, #tpu.memory_space<semaphore_mem>>
        %dma_start3A_121 = tpu.memref_slice %arg5[%select_n3A, %mul3A_114] : memref<26x16384xi32, #tpu.memory_space<hbm>> -> memref<1x8192xi32, #tpu.memory_space<hbm>>
        %dma_start3A_122 = tpu.memref_squeeze %dma_start3A_121 : memref<1x8192xi32, #tpu.memory_space<hbm>> -> memref<8192xi32, #tpu.memory_space<hbm>>
        %dma_start3A_123 = tpu.memref_slice %arg5[%select_n3A, %mul3A_114] : memref<26x16384xi32, #tpu.memory_space<hbm>> -> memref<1x8192xi32, #tpu.memory_space<hbm>>
        %dma_start3A_124 = tpu.memref_squeeze %dma_start3A_123 : memref<1x8192xi32, #tpu.memory_space<hbm>> -> memref<8192xi32, #tpu.memory_space<hbm>>
        tpu.enqueue_dma source(%dma_start3A_124 : memref<8192xi32, #tpu.memory_space<hbm>>) target(%arg9 : memref<8192xi32, #tpu.memory_space<vmem>>) target_semaphore(%run_scoped3A : memref<!tpu.dma_semaphore, #tpu.memory_space<semaphore_mem>>)
        %dma_wait3A_125 = tpu.memref_slice %arg5[%select_n3A, %mul3A_114] : memref<26x16384xi32, #tpu.memory_space<hbm>> -> memref<1x8192xi32, #tpu.memory_space<hbm>>
        %dma_wait3A_126 = tpu.memref_squeeze %dma_wait3A_125 : memref<1x8192xi32, #tpu.memory_space<hbm>> -> memref<8192xi32, #tpu.memory_space<hbm>>
        %dma_wait3A_127 = tpu.memref_slice %arg5[%select_n3A, %mul3A_114] : memref<26x16384xi32, #tpu.memory_space<hbm>> -> memref<1x8192xi32, #tpu.memory_space<hbm>>
        %dma_wait3A_128 = tpu.memref_squeeze %dma_wait3A_127 : memref<1x8192xi32, #tpu.memory_space<hbm>> -> memref<8192xi32, #tpu.memory_space<hbm>>
        tpu.wait_dma2 semaphore(%run_scoped3A : memref<!tpu.dma_semaphore, #tpu.memory_space<semaphore_mem>>) src(%dma_wait3A_128 : memref<8192xi32, #tpu.memory_space<hbm>>) dst(%arg9 : memref<8192xi32, #tpu.memory_space<vmem>>)
        tpu.yield
      }) : () -> ()
      %scan3A_115 = arith.constant 0 : i32
      %scan3A_116 = arith.constant 64 : i32
      %scan3A_117 = arith.addi %scan3A_115, %scan3A_116 : i32
      %scan3A_118 = arith.constant 1 : i32
      %scan3A_119 = scf.for %scan3A_121 = %scan3A_115 to %scan3A_117 step %scan3A_118 iter_args(%scan3A_122 = %scan3A_111) -> (vector<16xf32>)  : i32 {
        %mul3A_123 = arith.constant 128 : i32
        %mul3A_124 = arith.muli %scan3A_121, %mul3A_123 : i32
        %add3A_125 = arith.constant 0 : i32
        %add3A_126 = arith.addi %mul3A_124, %add3A_125 : i32
        %get3A = arith.index_cast %add3A_126 : i32 to index
        %get3A_127 = tpu.vector_load %arg9[%get3A] {strides = array<i32>} : memref<8192xi32, #tpu.memory_space<vmem>>, vector<16xi32>,
        %gather3A = tpu.vector_load_idx %arg7[%get3A_127] : memref<100000xf32, #tpu.memory_space<vmem>>[vector<16xi32>], vector<16xf32>,
        %mul3A_128 = arith.constant 8192 : i32
        %mul3A_129 = arith.muli %sub3A_91, %mul3A_128 : i32
        %add3A_130 = arith.addi %mul3A_129, %add3A_126 : i32
        %get3A_131 = arith.index_cast %add3A_130 : i32 to index
        %get3A_132 = tpu.vector_load %arg8[%get3A_131] {strides = array<i32>} : memref<16384xf32, #tpu.memory_space<vmem>>, vector<16xf32>,
        %sub3A_133 = arith.subf %get3A_132, %gather3A : vector<16xf32>
        %mul3A_134 = arith.mulf %sub3A_133, %sub3A_133 : vector<16xf32>
        %add3A_135 = arith.addf %scan3A_122, %mul3A_134 : vector<16xf32>
        %mul3A_136 = arith.constant 128 : i32
        %mul3A_137 = arith.muli %scan3A_121, %mul3A_136 : i32
        %add3A_138 = arith.constant 16 : i32
        %add3A_139 = arith.addi %mul3A_137, %add3A_138 : i32
        %get3A_140 = arith.index_cast %add3A_139 : i32 to index
        %get3A_141 = tpu.vector_load %arg9[%get3A_140] {strides = array<i32>} : memref<8192xi32, #tpu.memory_space<vmem>>, vector<16xi32>,
        %gather3A_142 = tpu.vector_load_idx %arg7[%get3A_141] : memref<100000xf32, #tpu.memory_space<vmem>>[vector<16xi32>], vector<16xf32>,
        %mul3A_143 = arith.constant 8192 : i32
        %mul3A_144 = arith.muli %sub3A_91, %mul3A_143 : i32
        %add3A_145 = arith.addi %mul3A_144, %add3A_139 : i32
        %get3A_146 = arith.index_cast %add3A_145 : i32 to index
        %get3A_147 = tpu.vector_load %arg8[%get3A_146] {strides = array<i32>} : memref<16384xf32, #tpu.memory_space<vmem>>, vector<16xf32>,
        %sub3A_148 = arith.subf %get3A_147, %gather3A_142 : vector<16xf32>
        %mul3A_149 = arith.mulf %sub3A_148, %sub3A_148 : vector<16xf32>
        %add3A_150 = arith.addf %add3A_135, %mul3A_149 : vector<16xf32>
        %mul3A_151 = arith.constant 128 : i32
        %mul3A_152 = arith.muli %scan3A_121, %mul3A_151 : i32
        %add3A_153 = arith.constant 32 : i32
        %add3A_154 = arith.addi %mul3A_152, %add3A_153 : i32
        %get3A_155 = arith.index_cast %add3A_154 : i32 to index
        %get3A_156 = tpu.vector_load %arg9[%get3A_155] {strides = array<i32>} : memref<8192xi32, #tpu.memory_space<vmem>>, vector<16xi32>,
        %gather3A_157 = tpu.vector_load_idx %arg7[%get3A_156] : memref<100000xf32, #tpu.memory_space<vmem>>[vector<16xi32>], vector<16xf32>,
        %mul3A_158 = arith.constant 8192 : i32
        %mul3A_159 = arith.muli %sub3A_91, %mul3A_158 : i32
        %add3A_160 = arith.addi %mul3A_159, %add3A_154 : i32
        %get3A_161 = arith.index_cast %add3A_160 : i32 to index
        %get3A_162 = tpu.vector_load %arg8[%get3A_161] {strides = array<i32>} : memref<16384xf32, #tpu.memory_space<vmem>>, vector<16xf32>,
        %sub3A_163 = arith.subf %get3A_162, %gather3A_157 : vector<16xf32>
        %mul3A_164 = arith.mulf %sub3A_163, %sub3A_163 : vector<16xf32>
        %add3A_165 = arith.addf %add3A_150, %mul3A_164 : vector<16xf32>
        %mul3A_166 = arith.constant 128 : i32
        %mul3A_167 = arith.muli %scan3A_121, %mul3A_166 : i32
        %add3A_168 = arith.constant 48 : i32
        %add3A_169 = arith.addi %mul3A_167, %add3A_168 : i32
        %get3A_170 = arith.index_cast %add3A_169 : i32 to index
        %get3A_171 = tpu.vector_load %arg9[%get3A_170] {strides = array<i32>} : memref<8192xi32, #tpu.memory_space<vmem>>, vector<16xi32>,
        %gather3A_172 = tpu.vector_load_idx %arg7[%get3A_171] : memref<100000xf32, #tpu.memory_space<vmem>>[vector<16xi32>], vector<16xf32>,
        %mul3A_173 = arith.constant 8192 : i32
        %mul3A_174 = arith.muli %sub3A_91, %mul3A_173 : i32
        %add3A_175 = arith.addi %mul3A_174, %add3A_169 : i32
        %get3A_176 = arith.index_cast %add3A_175 : i32 to index
        %get3A_177 = tpu.vector_load %arg8[%get3A_176] {strides = array<i32>} : memref<16384xf32, #tpu.memory_space<vmem>>, vector<16xf32>,
        %sub3A_178 = arith.subf %get3A_177, %gather3A_172 : vector<16xf32>
        %mul3A_179 = arith.mulf %sub3A_178, %sub3A_178 : vector<16xf32>
        %add3A_180 = arith.addf %add3A_165, %mul3A_179 : vector<16xf32>
        %mul3A_181 = arith.constant 128 : i32
        %mul3A_182 = arith.muli %scan3A_121, %mul3A_181 : i32
        %add3A_183 = arith.constant 64 : i32
        %add3A_184 = arith.addi %mul3A_182, %add3A_183 : i32
        %get3A_185 = arith.index_cast %add3A_184 : i32 to index
        %get3A_186 = tpu.vector_load %arg9[%get3A_185] {strides = array<i32>} : memref<8192xi32, #tpu.memory_space<vmem>>, vector<16xi32>,
        %gather3A_187 = tpu.vector_load_idx %arg7[%get3A_186] : memref<100000xf32, #tpu.memory_space<vmem>>[vector<16xi32>], vector<16xf32>,
        %mul3A_188 = arith.constant 8192 : i32
        %mul3A_189 = arith.muli %sub3A_91, %mul3A_188 : i32
        %add3A_190 = arith.addi %mul3A_189, %add3A_184 : i32
        %get3A_191 = arith.index_cast %add3A_190 : i32 to index
        %get3A_192 = tpu.vector_load %arg8[%get3A_191] {strides = array<i32>} : memref<16384xf32, #tpu.memory_space<vmem>>, vector<16xf32>,
        %sub3A_193 = arith.subf %get3A_192, %gather3A_187 : vector<16xf32>
        %mul3A_194 = arith.mulf %sub3A_193, %sub3A_193 : vector<16xf32>
        %add3A_195 = arith.addf %add3A_180, %mul3A_194 : vector<16xf32>
        %mul3A_196 = arith.constant 128 : i32
        %mul3A_197 = arith.muli %scan3A_121, %mul3A_196 : i32
        %add3A_198 = arith.constant 80 : i32
        %add3A_199 = arith.addi %mul3A_197, %add3A_198 : i32
        %get3A_200 = arith.index_cast %add3A_199 : i32 to index
        %get3A_201 = tpu.vector_load %arg9[%get3A_200] {strides = array<i32>} : memref<8192xi32, #tpu.memory_space<vmem>>, vector<16xi32>,
        %gather3A_202 = tpu.vector_load_idx %arg7[%get3A_201] : memref<100000xf32, #tpu.memory_space<vmem>>[vector<16xi32>], vector<16xf32>,
        %mul3A_203 = arith.constant 8192 : i32
        %mul3A_204 = arith.muli %sub3A_91, %mul3A_203 : i32
        %add3A_205 = arith.addi %mul3A_204, %add3A_199 : i32
        %get3A_206 = arith.index_cast %add3A_205 : i32 to index
        %get3A_207 = tpu.vector_load %arg8[%get3A_206] {strides = array<i32>} : memref<16384xf32, #tpu.memory_space<vmem>>, vector<16xf32>,
        %sub3A_208 = arith.subf %get3A_207, %gather3A_202 : vector<16xf32>
        %mul3A_209 = arith.mulf %sub3A_208, %sub3A_208 : vector<16xf32>
        %add3A_210 = arith.addf %add3A_195, %mul3A_209 : vector<16xf32>
        %mul3A_211 = arith.constant 128 : i32
        %mul3A_212 = arith.muli %scan3A_121, %mul3A_211 : i32
        %add3A_213 = arith.constant 96 : i32
        %add3A_214 = arith.addi %mul3A_212, %add3A_213 : i32
        %get3A_215 = arith.index_cast %add3A_214 : i32 to index
        %get3A_216 = tpu.vector_load %arg9[%get3A_215] {strides = array<i32>} : memref<8192xi32, #tpu.memory_space<vmem>>, vector<16xi32>,
        %gather3A_217 = tpu.vector_load_idx %arg7[%get3A_216] : memref<100000xf32, #tpu.memory_space<vmem>>[vector<16xi32>], vector<16xf32>,
        %mul3A_218 = arith.constant 8192 : i32
        %mul3A_219 = arith.muli %sub3A_91, %mul3A_218 : i32
        %add3A_220 = arith.addi %mul3A_219, %add3A_214 : i32
        %get3A_221 = arith.index_cast %add3A_220 : i32 to index
        %get3A_222 = tpu.vector_load %arg8[%get3A_221] {strides = array<i32>} : memref<16384xf32, #tpu.memory_space<vmem>>, vector<16xf32>,
        %sub3A_223 = arith.subf %get3A_222, %gather3A_217 : vector<16xf32>
        %mul3A_224 = arith.mulf %sub3A_223, %sub3A_223 : vector<16xf32>
        %add3A_225 = arith.addf %add3A_210, %mul3A_224 : vector<16xf32>
        %mul3A_226 = arith.constant 128 : i32
        %mul3A_227 = arith.muli %scan3A_121, %mul3A_226 : i32
        %add3A_228 = arith.constant 112 : i32
        %add3A_229 = arith.addi %mul3A_227, %add3A_228 : i32
        %get3A_230 = arith.index_cast %add3A_229 : i32 to index
        %get3A_231 = tpu.vector_load %arg9[%get3A_230] {strides = array<i32>} : memref<8192xi32, #tpu.memory_space<vmem>>, vector<16xi32>,
        %gather3A_232 = tpu.vector_load_idx %arg7[%get3A_231] : memref<100000xf32, #tpu.memory_space<vmem>>[vector<16xi32>], vector<16xf32>,
        %mul3A_233 = arith.constant 8192 : i32
        %mul3A_234 = arith.muli %sub3A_91, %mul3A_233 : i32
        %add3A_235 = arith.addi %mul3A_234, %add3A_229 : i32
        %get3A_236 = arith.index_cast %add3A_235 : i32 to index
        %get3A_237 = tpu.vector_load %arg8[%get3A_236] {strides = array<i32>} : memref<16384xf32, #tpu.memory_space<vmem>>, vector<16xf32>,
        %sub3A_238 = arith.subf %get3A_237, %gather3A_232 : vector<16xf32>
        %mul3A_239 = arith.mulf %sub3A_238, %sub3A_238 : vector<16xf32>
        %add3A_240 = arith.addf %add3A_225, %mul3A_239 : vector<16xf32>
        scf.yield %add3A_240 : vector<16xf32>
      }
      %scan3A_120 = arith.constant 64 : i32
      scf.yield %scan3A_119, %select_n3A : vector<16xf32>, i32
    }
    %scan3A_7 = arith.constant 13 : i32
    %mul3A_8 = arith.constant 512 : i32
    %mul3A_9 = arith.muli %add3A, %mul3A_8 : i32
    "tpu.region"() ({
      %run_scoped3A = tpu.sem_alloc : memref<!tpu.dma_semaphore, #tpu.memory_space<semaphore_mem>>
      %dma_start3A = tpu.memref_slice %arg3[%mul3A_9] : memref<16384xf32, #tpu.memory_space<hbm>> -> memref<512xf32, #tpu.memory_space<hbm>>
      %dma_start3A_20 = tpu.memref_slice %arg3[%mul3A_9] : memref<16384xf32, #tpu.memory_space<hbm>> -> memref<512xf32, #tpu.memory_space<hbm>>
      tpu.enqueue_dma source(%dma_start3A_20 : memref<512xf32, #tpu.memory_space<hbm>>) target(%arg10 : memref<512xf32, #tpu.memory_space<vmem>>) target_semaphore(%run_scoped3A : memref<!tpu.dma_semaphore, #tpu.memory_space<semaphore_mem>>)
      %dma_wait3A = tpu.memref_slice %arg3[%mul3A_9] : memref<16384xf32, #tpu.memory_space<hbm>> -> memref<512xf32, #tpu.memory_space<hbm>>
      %dma_wait3A_21 = tpu.memref_slice %arg3[%mul3A_9] : memref<16384xf32, #tpu.memory_space<hbm>> -> memref<512xf32, #tpu.memory_space<hbm>>
      tpu.wait_dma2 semaphore(%run_scoped3A : memref<!tpu.dma_semaphore, #tpu.memory_space<semaphore_mem>>) src(%dma_wait3A_21 : memref<512xf32, #tpu.memory_space<hbm>>) dst(%arg10 : memref<512xf32, #tpu.memory_space<vmem>>)
      tpu.yield
    }) : () -> ()
    %scan3A_10 = arith.constant 0 : i32
    %scan3A_11 = arith.constant 32 : i32
    %scan3A_12 = arith.addi %scan3A_10, %scan3A_11 : i32
    %scan3A_13 = arith.constant 1 : i32
    %scan3A_14 = scf.for %scan3A_20 = %scan3A_10 to %scan3A_12 step %scan3A_13 iter_args(%scan3A_21 = %broadcast_in_dim3A_1) -> (vector<16xf32>)  : i32 {
      %mul3A_22 = arith.constant 16 : i32
      %mul3A_23 = arith.muli %scan3A_20, %mul3A_22 : i32
      %get3A = arith.index_cast %mul3A_23 : i32 to index
      %get3A_24 = tpu.vector_load %arg10[%get3A] {strides = array<i32>} : memref<512xf32, #tpu.memory_space<vmem>>, vector<16xf32>,
      %add3A_25 = arith.addf %scan3A_21, %get3A_24 : vector<16xf32>
      scf.yield %add3A_25 : vector<16xf32>
    }
    %scan3A_15 = arith.constant 32 : i32
    %mul3A_16 = arith.constant 5.000000e-01 : f32
    %mul3A_17 = vector.broadcast %mul3A_16 : f32 to vector<16xf32>
    %mul3A_18 = arith.mulf %scan3A_6#0, %mul3A_17 : vector<16xf32>
    %sub3A = arith.subf %mul3A_18, %scan3A_14 : vector<16xf32>
    %swap3A = arith.constant 0 : index
    %swap3A_19 = tpu.vector_load %arg11[%swap3A] {strides = array<i32>} : memref<16xf32, #tpu.memory_space<vmem>>, vector<16xf32>,
    tpu.vector_store %arg11[%swap3A], %sub3A {strides = array<i32>} : memref<16xf32, #tpu.memory_space<vmem>>, vector<16xf32>,
    "tpu.region"() ({
      %run_scoped3A = tpu.sem_alloc : memref<!tpu.dma_semaphore, #tpu.memory_space<semaphore_mem>>
      %dma_start3A = arith.constant 0 : i32
      %dma_start3A_20 = tpu.memref_slice %arg6[%add3A, %dma_start3A] : memref<32x16xf32, #tpu.memory_space<hbm>> -> memref<1x16xf32, #tpu.memory_space<hbm>>
      %dma_start3A_21 = tpu.memref_squeeze %dma_start3A_20 : memref<1x16xf32, #tpu.memory_space<hbm>> -> memref<16xf32, #tpu.memory_space<hbm>>
      %dma_start3A_22 = arith.constant 0 : i32
      %dma_start3A_23 = tpu.memref_slice %arg6[%add3A, %dma_start3A_22] : memref<32x16xf32, #tpu.memory_space<hbm>> -> memref<1x16xf32, #tpu.memory_space<hbm>>
      %dma_start3A_24 = tpu.memref_squeeze %dma_start3A_23 : memref<1x16xf32, #tpu.memory_space<hbm>> -> memref<16xf32, #tpu.memory_space<hbm>>
      tpu.enqueue_dma source(%arg11 : memref<16xf32, #tpu.memory_space<vmem>>) target(%dma_start3A_24 : memref<16xf32, #tpu.memory_space<hbm>>) target_semaphore(%run_scoped3A : memref<!tpu.dma_semaphore, #tpu.memory_space<semaphore_mem>>)
      %dma_wait3A = arith.constant 0 : i32
      %dma_wait3A_25 = tpu.memref_slice %arg6[%add3A, %dma_wait3A] : memref<32x16xf32, #tpu.memory_space<hbm>> -> memref<1x16xf32, #tpu.memory_space<hbm>>
      %dma_wait3A_26 = tpu.memref_squeeze %dma_wait3A_25 : memref<1x16xf32, #tpu.memory_space<hbm>> -> memref<16xf32, #tpu.memory_space<hbm>>
      %dma_wait3A_27 = arith.constant 0 : i32
      %dma_wait3A_28 = tpu.memref_slice %arg6[%add3A, %dma_wait3A_27] : memref<32x16xf32, #tpu.memory_space<hbm>> -> memref<1x16xf32, #tpu.memory_space<hbm>>
      %dma_wait3A_29 = tpu.memref_squeeze %dma_wait3A_28 : memref<1x16xf32, #tpu.memory_space<hbm>> -> memref<16xf32, #tpu.memory_space<hbm>>
      tpu.wait_dma2 semaphore(%run_scoped3A : memref<!tpu.dma_semaphore, #tpu.memory_space<semaphore_mem>>) src(%arg11 : memref<16xf32, #tpu.memory_space<vmem>>) dst(%dma_wait3A_29 : memref<16xf32, #tpu.memory_space<hbm>>)
      tpu.yield
    }) : () -> ()
    return
  }
}

</mosaic_0001>

<sc_bundles>
// kernel: _sc_partials.3.cloned.1.call-start
scs
__scs_entry_jumppad:
0x0: {  	(pc) =	sbr.rel $0x88, $3  }
0x1: {  	(tag) =	ssettag $0x0;
	lr =	simm.s32 $0x1  }
0x2: {  	[smem:$0x3F9D] =	sst lr;
	_ =	strace $0xD0000000  }
0x3: {  	_ = 	snop  }
0x4: {  	_ = 	snop  }
0x5: {  	_ = 	snop  }
0x6: {  	_ = 	snop  }
0x7: {  	_ = 	snop  }
__scs_overlays_trampoline_lowered:
0x8: {  	[smem:$0x3FAC] =	sst s0  }
0x9: {  	[smem:$0x3FAD] =	sst s1  }
0xa: {  	[smem:$0x3FAE] =	sst s2  }
0xb: {  	[smem:$0x3FAF] =	sst s3  }
0xc: {  	[smem:$0x3FB0] =	sst s4  }
0xd: {  	[smem:$0x3FB1] =	sst s5  }
0xe: {  	[smem:$0x3FB2] =	sst s6  }
0xf: {  	[smem:$0x3FB3] =	sst s7  }
0x10: {  	[smem:$0x3FB4] =	sst s8  }
0x11: {  	[smem:$0x3FB5] =	sst s9;
	s0 =	simm.s32 @!p0 $0x0  }
0x12: {  	s1 =	sld [smem:$0x3F9B];
	s0 =	simm.s32 @p0 $0x1  }
0x13: {  	[smem:$0x3FB6] =	sst s0;
	s0 =	simm.s32 @!p1 $0x0  }
0x14: {  	s2 =	sld [smem:$0x3F9A];
	s0 =	simm.s32 @p1 $0x1  }
0x15: {  	[smem:$0x3FB7] =	sst s0;
	s0 =	simm.s32 @!p2 $0x0  }
0x16: {  	s3 =	sld [smem:$0x3FDB];
	s0 =	simm.s32 @p2 $0x1  }
0x17: {  	s4 =	simm.s32 $0x1BF5;
	[smem:$0x3FB9] =	sst s0  }
0x18: {  	s0 =	sld [smem:$0x3F9C];
	_ =	swait.ge [sflag:s4], $0x0  }
0x19: {  	s7 =	sld [smem:$0x3F9D]  }
0x1a: {  	s8 =	sadd.s32 $0xFFFFE003, lr  }
0x1b: {  	s9 =	sadd.s32 $0xFFFFFEF7, lr;
	s5 =	simm.s32 $0xFFFFFFFF;
	p2 =	slt.u32 s8, $0xFFFFF086  }
0x1c: {  	p1 =	slt.u32 s9, $0xF7A;
	s5 =	simm.s32 @!p2 $0x0  }
0x1d: {  	s5 =	simm.s32 @p1 $0x1;
	p0 =	seq.s32 s7, s2  }
0x1e: {  	s7 =	smul.u32 @!p0 $0xF7A, s2;
	p2 =	seq.s32 @!p0 s5, $0x0  }
0x1f: {  	s9 =	smul.u32 $0xF7A, s1;
	s8 =	simm.s32 @!p0 $0x1BF5;
	p2 =	por !p2, p0  }
0x20: {  	[sflag:s8] =	ssyncset.s32 @!p0 $0xFFFFF086;
	s6 =	sadd.s32 @!p0 s3, s7;
	s7 =	simm.s32 @!p0 $0x108  }
0x21: {  	s3 =	sadd.s32 s3, s9;
	s6 =	sadd.s32 @!p0 $0x88, s6;
	s7 =	simm.s32 @p2 $0x1082  }
0x22: {  	[simem:s7], [sflag:s8] =	dma.local @!p0 [hbm:s6], $0xF7A  }
0x23: {  	s9 =	sor.u32 $0xD0000000, s2;
	s6 =	simm.s32 $0x108;
	_ =	swait.ge @!p0 [sflag:s8], $0x0  }
0x24: {  	s3 =	sadd.s32 $0x88, s3;
	s6 =	simm.s32 @!p1 $0x1082;
	[sflag:s4] =	ssyncset.s32 $0xFFFFF086  }
0x25: {  	[simem:s6], [sflag:s4] =	dma.local [hbm:s3], $0xF7A  }
0x26: {  	[smem:$0x3F9D] =	sst s1;
	(tag) =	ssettag s2;
	_ =	strace s9  }
0x27: {  	s1 =	sld [smem:$0x3FAD]  }
0x28: {  	s2 =	sld [smem:$0x3FAE]  }
0x29: {  	s4 =	sld [smem:$0x3FB0]  }
0x2a: {  	p0 =	seq.s32 s5, $0x0;
	s5 =	sld [smem:$0x3FB1]  }
0x2b: {  	s6 =	sld [smem:$0x3FB2]  }
0x2c: {  	s7 =	sld [smem:$0x3FB3]  }
0x2d: {  	s3 =	simm.s32 $0x108;
	s8 =	sld [smem:$0x3FB4]  }
0x2e: {  	s3 =	simm.s32 @!p0 $0x1082;
	s9 =	sld [smem:$0x3FB5]  }
0x2f: {  	lr =	sadd.s32 s0, s3;
	s0 =	sld [smem:$0x3FAC]  }
0x30: {  	s3 =	sld [smem:$0x3FAF]  }
0x31: {  	[smem:$0x3FB8] =	sst s10  }
0x32: {  	s10 =	sld [smem:$0x3FB6];
	_ =	sdelay $0x3  }
0x33: {  	p0 =	seq.s32 s10, $0x1;
	s10 =	sld [smem:$0x3FB8];
	_ =	sdelay $0x3  }
0x34: {  	[smem:$0x3FB8] =	sst s10  }
0x35: {  	s10 =	sld [smem:$0x3FB7];
	_ =	sdelay $0x3  }
0x36: {  	p1 =	seq.s32 s10, $0x1;
	s10 =	sld [smem:$0x3FB8];
	_ =	sdelay $0x3  }
0x37: {  	[smem:$0x3FB8] =	sst s10  }
0x38: {  	s10 =	sld [smem:$0x3FB9]  }
0x39: {  	_ = 	snop;
	(pc) =	sbr.ind lr, $3  }
0x3a: {  	_ = 	snop  }
0x3b: {  	_ = 	snop  }
0x3c: {  	p2 =	seq.s32 s10, $0x1;
	s10 =	sld [smem:$0x3FB8]  }
0x3d: {  	_ =	shalt  }
0x3e: {  	_ =	shalt  }
0x3f: {  	_ =	shalt  }
0x40: {  	_ =	shalt  }
0x41: {  	_ =	shalt  }
0x42: {  	_ =	shalt  }
0x43: {  	_ =	shalt  }
0x44: {  	_ =	shalt  }
0x45: {  	_ =	shalt  }
0x46: {  	_ =	shalt  }
0x47: {  	_ =	shalt  }
0x48: {  	_ =	shalt  }
0x49: {  	_ =	shalt  }
0x4a: {  	_ =	shalt  }
0x4b: {  	_ =	shalt  }
0x4c: {  	_ =	shalt  }
0x4d: {  	_ =	shalt  }
0x4e: {  	_ =	shalt  }
0x4f: {  	_ =	shalt  }
0x50: {  	_ =	shalt  }
0x51: {  	_ =	shalt  }
0x52: {  	_ =	shalt  }
0x53: {  	_ =	shalt  }
0x54: {  	_ =	shalt  }
0x55: {  	_ =	shalt  }
0x56: {  	_ =	shalt  }
0x57: {  	_ =	shalt  }
0x58: {  	_ =	shalt  }
0x59: {  	_ =	shalt  }
0x5a: {  	_ =	shalt  }
0x5b: {  	_ =	shalt  }
0x5c: {  	_ =	shalt  }
0x5d: {  	_ =	shalt  }
0x5e: {  	_ =	shalt  }
0x5f: {  	_ =	shalt  }
0x60: {  	_ =	shalt  }
0x61: {  	_ =	shalt  }
0x62: {  	_ =	shalt  }
0x63: {  	_ =	shalt  }
0x64: {  	_ =	shalt  }
0x65: {  	_ =	shalt  }
0x66: {  	_ =	shalt  }
0x67: {  	_ =	shalt  }
0x68: {  	_ =	shalt  }
0x69: {  	_ =	shalt  }
0x6a: {  	_ =	shalt  }
0x6b: {  	_ =	shalt  }
0x6c: {  	_ =	shalt  }
0x6d: {  	_ =	shalt  }
0x6e: {  	_ =	shalt  }
0x6f: {  	_ =	shalt  }
0x70: {  	_ =	shalt  }
0x71: {  	_ =	shalt  }
0x72: {  	_ =	shalt  }
0x73: {  	_ =	shalt  }
0x74: {  	_ =	shalt  }
0x75: {  	_ =	shalt  }
0x76: {  	_ =	shalt  }
0x77: {  	_ =	shalt  }
0x78: {  	_ =	shalt  }
0x79: {  	_ =	shalt  }
0x7a: {  	_ =	shalt  }
0x7b: {  	_ =	shalt  }
0x7c: {  	_ =	shalt  }
0x7d: {  	_ =	shalt  }
0x7e: {  	_ =	shalt  }
0x7f: {  	_ =	shalt  }
0x80: {  	_ =	shalt  }
0x81: {  	_ =	shalt  }
0x82: {  	_ =	shalt  }
0x83: {  	_ =	shalt  }
0x84: {  	_ =	shalt  }
0x85: {  	_ =	shalt  }
0x86: {  	_ =	shalt  }
0x87: {  	_ =	shalt  }
.Lfunc_end0:
.L_simem_size_0:
called_computation_lowered:
.L_overlay_start_0:
0x88: {  	s2 =	sld [smem:$0x3FD9]  }
0x89: {  	s3 =	sld [smem:$0x3FFE];
	_ =	sdelay $0x1  }
0x8a: {  	s1 =	srdreg.scid  }
0x8b: {  	s0 =	sand.u32 $0x1, s1  }
0x8c: {  	s17 =	sshll.u32 s0, $0xA;
	s2 =	sadd.s32 s3, s2  }
0x8d: {  	s2 =	sadd.s32 s2, s17  }
0x8e: {  	[smem:$0x3FC4] =	sst s2  }
0x8f: {  	_ = 	snop  }
0x90: {  	s2 =	sld [smem:$0x3FC9]  }
0x91: {  	s18 =	sld [smem:$0x3FC8]  }
0x92: {  	s4 =	sld [smem:$0x3FC7]  }
0x93: {  	s5 =	sld [smem:$0x3FC6];
	(tm) =	ssettm $0x1  }
0x94: {  	s6 =	sld [smem:$0x3FFB];
	_ =	sdelay $0x3  }
0x95: {  	_ =	strace s6  }
0x96: {  	s6 =	sld [smem:$0x3FFC];
	_ =	sdelay $0x3  }
0x97: {  	_ =	strace s6  }
0x98: {  	s6 =	sld [smem:$0x3FFD];
	_ =	sdelay $0x3  }
0x99: {  	_ =	strace s6  }
0x9a: {  	_ =	strace $0x8FFFFFFF  }
0x9b: {  	s19 =	sld [smem:$0x3FDB];
	_ =	sdelay $0x1  }
0x9c: {  	s7 =	simm.s32 $_scs_section_size  }
0x9d: {  	s8 =	simm.s32 $_size__tile_overlayer_lowered;
	s9 =	simm.s32 $_tile_overlayer_lowered  }
0x9e: {  	s22 =	simm.s32 $0x1BFF;
	s21 =	sshll.u32 s9, $0x1;
	s6 =	sadd.s32 s7, s19  }
0x9f: {  	s10 =	simm.s32 $0x0;
	s20 =	sshll.u32 s8, $0x1;
	s8 =	sadd.s32 s21, s6  }
0xa0: {  	[timem:s10], [sflag:s22] =	dma.local [hbm:s8], s20  }
0xa1: {  	_ =	swait.ge [sflag:s22], s20  }
0xa2: {  	s7 =	ssub.s32 $0x0, s20;
	[sflag:s22] =	ssyncset.done $0x0  }
0xa3: {  	[sflag:s22] =	ssyncadd.s32 s7;
	_ =	sdelay $0x1  }
0xa4: {  	s23 =	simm.s32 $0x1B8B  }
0xa5: {  	_ =	swait.ge [sflag:s23], $0x1  }
0xa6: {  	[sflag:s23] =	ssyncset.done $0x0  }
0xa7: {  	s25 =	simm.s32 $0x1B8E;
	s24 =	sld [smem:$0x3FFE];
	[sflag:s23] =	ssyncadd.s32 $0xFFFFFFFF  }
0xa8: {  	s26 =	simm.s32 $execute0_lowered;
	[smem:$0x3FD2] =	sst s25  }
0xa9: {  	s8 =	sshll.u32 s26, $0x1;
	_ =	strace $0x80000046;
	[dreg:$0x1] =	wrdreg $0xFFFFFFFF  }
0xaa: {  	s28 =	simm.s32 $_size_execute0_lowered;
	s6 =	sadd.s32 s6, s8;
	[dreg:$0x0] =	wrdreg $0x0  }
0xab: {  	s8 =	sshll.u32 s28, $0x1;
	[dreg:$0x2] =	wrdreg s6  }
0xac: {  	[dreg:$0x3] =	wrdreg s8  }
0xad: {  	[dreg:$0x4] =	wrdreg $0xC0  }
0xae: {  	_ =	task [dreg:s10], $0x5FFFF  }
0xaf: {  	[dreg:$0x1] =	wrdreg $0xFFFFFFFF  }
0xb0: {  	[dreg:$0x0] =	wrdreg $0x60  }
0xb1: {  	[dreg:$0x2] =	wrdreg s2  }
0xb2: {  	[dreg:$0x3] =	wrdreg s18  }
0xb3: {  	[dreg:$0x4] =	wrdreg s4  }
0xb4: {  	[dreg:$0x5] =	wrdreg s5  }
0xb5: {  	[dreg:$0x6] =	wrdreg s24  }
0xb6: {  	[dreg:$0x7] =	wrdreg $0x9  }
0xb7: {  	_ =	task.clear_ibuf [dreg:s10], $0x8FFFF;
	_ =	strace $0x90000046  }
0xb8: {  	s29 =	simm.s32 $0x9;
	_ =	strace $0x80000048  }
0xb9: {  	_ =	swait.ge [sflag:s29], $0x1  }
0xba: {  	[sflag:s29] =	ssyncadd.s32 $0xFFFFFFFF  }
0xbb: {  	_ =	strace $0x90000048  }
0xbc: {  	_ =	sfence  }
0xbd: {  	s30 =	sld [smem:$0x0];
	_ =	sdelay $0x2  }
0xbe: {  	s31 =	sshll.u32 s1, $0xD;
	s1 =	sshrl.u32 s1, $0x2  }
0xbf: {  	s3 =	sand.u32 $0x4000, s31;
	s1 =	sadd.s32 s1, s30  }
0xc0: {  	s0 =	sor.u32 s3, s0;
	s1 =	sshll.u32 s1, $0x11  }
0xc1: {  	s0 =	sor.u32 s1, s0  }
0xc2: {  	s0 =	sadd.s32 $0x8F2B, s0  }
0xc3: {  	[sflag:s0] =	ssyncadd.remote.s32 $0x1  }
0xc4: {  	_ =	sfence.sel $0xFFFF  }
0xc5: {  	[dreg:$0x0] =	wrdreg $0xFFFFFFFF;
	(pc) =	sbr.abs _section_cstart, $3  }
0xc6: {  	[dreg:$0x1] =	wrdreg $0xFFFFFFFF  }
0xc7: {  	_ =	task.clear_ibuf [dreg:s10], $0x2FFFF;
	_ =	strace $0x9FFFFFFF  }
0xc8: {  	(tm) =	ssettm $0x7FFFFFFF  }
0xc9: {  	_ =	shalt  }
tec
execute0_lowered:
.L_overlay_start_1:
0x0: {  	(tag) =	ssettag $0x1  }
0x1: {  	s1 =	rddreg [dreg:$0x0]  }
0x2: {  	s7 =	rddreg [dreg:$0x1]  }
0x3: {  	s2 =	rddreg [dreg:$0x2]  }
0x4: {  	s4 =	rddreg [dreg:$0x3]  }
0x5: {  	s6 =	rddreg [dreg:$0x4]  }
0x6: {  	s0 =	rddreg [dreg:$0x5];
	s8 =	srdreg.scid  }
0x7: {  	s3 =	stileid.u32;
	s5 =	simm.s32 $0x0;
	s13 =	simm.s32 $0x18700  }
0x8: {  	s14 =	simm.s32 $0x1C700;
	s15 =	simm.s32 $0x3;
	s16 =	simm.s32 $0x2  }
0x9: {  	s17 =	simm.s32 $0x1E700;
	s18 =	simm.s32 $0x1E900;
	s19 =	simm.s32 $0x0  }
0xa: {  	s8 =	sand.u32 $0x1, s8;
	s9 =	sshll.u32 s3, $0x1;
	[smem:$0x7FF] =	sst s5  }
0xb: {  	s9 =	sor.u32 s8, s9;
	_ =	strace $0x80000047;
	s8 =	ssub.s32 $0x2, s8  }
0xc: {  	s10 =	sshll.u32 s9, $0x4;
	s31 =	sshrl.u32 s8, $0x1;
	s11 =	sshll.u32 s9, $0x6  }
0xd: {  	s10 =	sadd.s32 s10, s6;
	s12 =	ssub.s32 s8, s31;
	s6 =	smul.u32 $0xD, s9  }
0xe: {  	s7 =	sadd.s32 s7, s11;
	s11 =	simm.s32 $0x80;
	s8 =	sadd.s32 $0x400, s10  }
0xf: {  	s9 =	smax.u32 s12, $0x1;
	s10 =	simm.s32 $0x1;
	s12 =	simm.s32 $0x400  }
.LBB2_1:
0x10: {  	v0 =	vimm.f32 $0.0e+00;
	s20 =	simm.s32 $0xFFFFFFFF;
	p0 =	por $0x0, $0x0;
	s21 =	simm.s32 $0x0  }
.LBB2_2:
0x11: {  	s22 =	sadd.s32 s3, s21  }
0x12: {  	s23 =	smulhi.u32 $0x4EC4EC4F, s22;
	_ =	sdelay $0x1  }
0x13: {  	s23 =	sshrl.u32 s23, $0x2  }
0x14: {  	s23 =	smul.u32 $0xD, s23;
	_ =	sdelay $0x1  }
0x15: {  	s22 =	ssub.s32 s22, s23  }
0x16: {  	s22 =	sadd.s32 s6, s22  }
0x17: {  	s29 =	sand.u32 $0xF, s22  }
0x18: {  	s24 =	smov.u32 s20;
	p1 =	seq.s32 s21, $0x0;
	s25 =	smul.u32 $0x1A, s29  }
0x19: {  	s20 =	sshrl.u32 s22, $0x4;
	s31 =	sshll.u32 s22, $0x7;
	s22 =	sand.u32 $0x70, s22  }
0x1a: {  	s30 =	smul.u32 $0x187000, s20;
	s23 =	sshrl.u32 s29, $0x3;
	s25 =	sadd.s32 s20, s25  }
0x1b: {  	s23 =	smul.u32 $0xC3800, s23;
	s26 =	sshll.u32 s25, $0xE;
	s25 =	sshll.u32 s25, $0x7  }
0x1c: {  	s28 =	sand.u32 $0x380, s31;
	p2 =	seq.s32 @!p1 s20, s24;
	s25 =	sor.u32 s25, s26  }
0x1d: {  	s29 =	sand.u32 $0x1, s21;
	s23 =	sadd.s32 s30, s23;
	s25 =	sand.u32 $0xFE0380, s25  }
0x1e: {  	p1 =	por p1, !p2;
	s23 =	sor.u32 s28, s23;
	s25 =	sshrl.u32 s25, $0x3  }
0x1f: {  	s24 =	sshll.u32 s29, $0xD;
	s23 =	sshrl.u32 s23, $0x3;
	s25 =	sadd.s32 s1, s25  }
0x20: {  	[tilespmem:s13], [sflag:$0x1] =	stream.strided.gather [hbm4b:s25+s11], $0x4000, s12, s11, $0x38;
	[tilespmem:$0x1E980] =	vst v63  }
0x21: {  	s30 =	sshll.u32 s20, $0xB;
	s23 =	sadd.s32 s2, s23;
	s25 =	sadd.s32 @p1 s4, s24  }
0x22: {  	[tilespmem:s5], [sflag:$0x2] =	stream.strided.gather [hbm4b:s23+s11], $0x18700, s12, s11, $0x38;
	[tilespmem:$0x1E980] =	vst v63  }
0x23: {  	s25 =	sadd.s32 @p1 s22, s25;
	s23 =	sand.u32 $0xFFFC000, s30  }
0x24: {  	s25 =	sadd.s32 @p1 s23, s25  }
0x25: {  	[tilespmem:s14], [sflag:$0x3] =	stream.strided.gather @p1 [hbm4b:s25+s11], $0x2000, s12, s11, $0x38;
	[tilespmem:$0x1E980] =	vst v63  }
0x26: {  	s25 =	simm.s32 $0x1;
	_ =	swait.ge @p1 [sflag:s15], $0x2000  }
0x27: {  	s25 =	simm.s32 @!p0 $0x0;
	[sflag:s15] =	ssyncset.done @p1 $0x0  }
0x28: {  	s25 =	sshll.u32 s25, $0xD;
	[sflag:s15] =	ssyncadd.s32 @p1 $0xFFFFE000  }
0x29: {  	s25 =	sor.u32 $0x18740, s25;
	_ =	swait.ge [sflag:s16], $0x18700  }
0x2a: {  	v1 =	vmov s25;
	[sflag:s16] =	ssyncset.done $0x0  }
0x2b: {  	[sflag:s16] =	ssyncadd.s32 $0xFFFE7900  }
0x2c: {  	_ =	swait.ge [sflag:s10], $0x4000  }
0x2d: {  	[sflag:s10] =	ssyncset.done $0x0  }
0x2e: {  	s31 =	simm.s32 $0x0;
	[sflag:s10] =	ssyncadd.s32 $0xFFFFC000  }
0x2f: {  	v2 =	vld.idx.msk [tilespmem:v1+s31+$0xFFFFFFF0 ss:$0x1], $0xffff  }
0x30: {  	v3 =	vld [tilespmem:s31+$0x1C700]  }
0x31: {  	v4 =	vld.idx.msk [tilespmem:v1+s31+$0xFFFFFFE0 ss:$0x1], $0xffff  }
0x32: {  	v5 =	vld [tilespmem:s31+$0x1C710]  }
0x33: {  	v6 =	vld.idx.msk [tilespmem:v1+s31+$0xFFFFFFD0 ss:$0x1], $0xffff  }
0x34: {  	v7 =	vld [tilespmem:s31+$0x1C720]  }
0x35: {  	v8 =	vld.idx.msk [tilespmem:v1+s31+$0xFFFFFFC0 ss:$0x1], $0xffff  }
0x36: {  	v9 =	vld [tilespmem:s31+$0x1C730]  }
0x37: {  	v10 =	vld [tilespmem:s31+$0x1C740]  }
0x38: {  	v11 =	vld [tilespmem:s31+$0x1C750]  }
0x39: {  	v3 =	vld.idx.msk [tilespmem:v3+s5+$0x0], $0xffff  }
0x3a: {  	v13 =	vld [tilespmem:s31+$0x1C770]  }
0x3b: {  	v5 =	vld.idx.msk [tilespmem:v5+s5+$0x0], $0xffff  }
0x3c: {  	v12 =	vld [tilespmem:s31+$0x1C760]  }
0x3d: {  	v7 =	vld.idx.msk [tilespmem:v7+s5+$0x0], $0xffff  }
0x3e: {  	v14 =	vld.idx.msk [tilespmem:v1+s31+$0x0 ss:$0x1], $0xffff;
	v3 =	vsub.f32 v8, v3  }
0x3f: {  	v9 =	vld.idx.msk [tilespmem:v9+s5+$0x0], $0xffff  }
0x40: {  	v10 =	vld.idx.msk [tilespmem:v10+s5+$0x0], $0xffff;
	v6 =	vsub.f32 v6, v5;
	v3 =	vmul.f32 v3, v3  }
0x41: {  	v5 =	vld.idx.msk [tilespmem:v1+s31+$0x10 ss:$0x1], $0xffff  }
0x42: {  	v8 =	vld.idx.msk [tilespmem:v11+s5+$0x0], $0xffff;
	v4 =	vsub.f32 v4, v7;
	v11 =	vmul.f32 v6, v6;
	v0 =	vadd.f32 v3, v0  }
0x43: {  	v7 =	vld.idx.msk [tilespmem:v13+s5+$0x0], $0xffff  }
0x44: {  	v2 =	vsub.f32 v2, v9;
	v6 =	vld.idx.msk [tilespmem:v12+s5+$0x0], $0xffff;
	v0 =	vadd.f32 v11, v0;
	v11 =	vmul.f32 v4, v4  }
0x45: {  	s25 =	simm.s32 $0x80;
	v3 =	vld.idx.msk [tilespmem:v1+s31+$0x20 ss:$0x1], $0xffff  }
0x46: {  	v10 =	vsub.f32 v14, v10;
	v9 =	vmul.f32 v2, v2;
	v2 =	vld.idx.msk [tilespmem:v1+s25+$0xFFFFFFF0 ss:$0x1], $0xffff;
	v0 =	vadd.f32 v11, v0  }
0x47: {  	s26 =	simm.s32 $0x400;
	v4 =	vld.idx.msk [tilespmem:v1+s31+$0x30 ss:$0x1], $0xffff  }
.LBB2_3:
0x48: {  	p1 =	sne.s32 s26, $0x7E00;
	v11 =	vld [tilespmem:s25+$0x1C700];
	v0 =	vadd.f32 v9, v0;
	v9 =	vmul.f32 v10, v10;
	v5 =	vsub.f32 v5, v8  }
0x49: {  	v8 =	vld.idx.msk [tilespmem:v1+s25+$0xFFFFFFE0 ss:$0x1], $0xffff  }
0x4a: {  	v3 =	vsub.f32 v3, v6;
	v10 =	vld [tilespmem:s25+$0x1C710];
	v0 =	vadd.f32 v9, v0;
	v5 =	vmul.f32 v5, v5  }
0x4b: {  	v6 =	vld.idx.msk [tilespmem:v1+s25+$0xFFFFFFD0 ss:$0x1], $0xffff  }
0x4c: {  	v3 =	vmul.f32 v3, v3;
	v4 =	vsub.f32 v4, v7;
	v9 =	vld [tilespmem:s25+$0x1C720];
	v0 =	vadd.f32 v5, v0  }
0x4d: {  	v5 =	vld.idx.msk [tilespmem:v1+s25+$0xFFFFFFC0 ss:$0x1], $0xffff  }
0x4e: {  	v7 =	vld [tilespmem:s25+$0x1C730];
	v0 =	vadd.f32 v3, v0;
	v3 =	vmul.f32 v4, v4  }
0x4f: {  	v4 =	vld [tilespmem:s25+$0x1C740]  }
0x50: {  	v11 =	vld.idx.msk [tilespmem:v11+s5+$0x0], $0xffff;
	v0 =	vadd.f32 v3, v0  }
0x51: {  	v3 =	vld [tilespmem:s25+$0x1C750]  }
0x52: {  	v10 =	vld.idx.msk [tilespmem:v10+s5+$0x0], $0xffff  }
0x53: {  	v12 =	vld [tilespmem:s25+$0x1C760]  }
0x54: {  	v9 =	vld.idx.msk [tilespmem:v9+s5+$0x0], $0xffff  }
0x55: {  	v13 =	vld [tilespmem:s25+$0x1C770]  }
0x56: {  	v5 =	vsub.f32 v5, v11;
	v7 =	vld.idx.msk [tilespmem:v7+s5+$0x0], $0xffff  }
0x57: {  	v11 =	vld.idx.msk [tilespmem:v1+s25+$0x0 ss:$0x1], $0xffff  }
0x58: {  	v14 =	vmul.f32 v5, v5;
	v6 =	vsub.f32 v6, v10;
	v10 =	vld.idx.msk [tilespmem:v4+s5+$0x0], $0xffff  }
0x59: {  	v5 =	vld.idx.msk [tilespmem:v1+s25+$0x10 ss:$0x1], $0xffff  }
0x5a: {  	v0 =	vadd.f32 v14, v0;
	v4 =	vmul.f32 v6, v6;
	v6 =	vsub.f32 v8, v9;
	v8 =	vld.idx.msk [tilespmem:v3+s5+$0x0], $0xffff  }
.Ltmp0:
0x5b: {  	v3 =	vld.idx.msk [tilespmem:v1+s25+$0x20 ss:$0x1], $0xffff;
	(pc) =	sbr.rel @p1 .LBB2_3-.Ltmp0, $4  }
0x5c: {  	v0 =	vadd.f32 v4, v0;
	v9 =	vmul.f32 v6, v6;
	v2 =	vsub.f32 v2, v7;
	v6 =	vld.idx.msk [tilespmem:v12+s5+$0x0], $0xffff  }
0x5d: {  	v4 =	vld.idx.msk [tilespmem:v1+s25+$0x30 ss:$0x1], $0xffff  }
0x5e: {  	s25 =	sshra.s32 s26, $0x2;
	v0 =	vadd.f32 v9, v0;
	v9 =	vmul.f32 v2, v2;
	v10 =	vsub.f32 v11, v10;
	v7 =	vld.idx.msk [tilespmem:v13+s5+$0x0], $0xffff  }
0x5f: {  	s26 =	sadd.s32 $0x200, s26;
	v2 =	vld.idx.msk [tilespmem:v1+s25+$0xFFFFFFF0 ss:$0x1], $0xffff  }
0x60: {  	_ =	sdelay $0x2  }
0x61: {  	v11 =	vld [tilespmem:s25+$0x1C700]  }
0x62: {  	v12 =	vld.idx.msk [tilespmem:v1+s25+$0xFFFFFFE0 ss:$0x1], $0xffff  }
0x63: {  	v13 =	vld [tilespmem:s25+$0x1C710]  }
0x64: {  	v14 =	vld.idx.msk [tilespmem:v1+s25+$0xFFFFFFD0 ss:$0x1], $0xffff  }
0x65: {  	v15 =	vld [tilespmem:s25+$0x1C720]  }
0x66: {  	v16 =	vld.idx.msk [tilespmem:v1+s25+$0xFFFFFFC0 ss:$0x1], $0xffff  }
0x67: {  	v17 =	vld [tilespmem:s25+$0x1C730]  }
0x68: {  	v18 =	vld [tilespmem:s25+$0x1C740]  }
0x69: {  	v19 =	vld [tilespmem:s25+$0x1C750]  }
0x6a: {  	v20 =	vld [tilespmem:s25+$0x1C760]  }
0x6b: {  	v21 =	vld [tilespmem:s25+$0x1C770]  }
0x6c: {  	v22 =	vld.idx.msk [tilespmem:v1+s25+$0x0 ss:$0x1], $0xffff  }
0x6d: {  	v23 =	vld.idx.msk [tilespmem:v1+s25+$0x10 ss:$0x1], $0xffff  }
0x6e: {  	v24 =	vld.idx.msk [tilespmem:v1+s25+$0x20 ss:$0x1], $0xffff  }
0x6f: {  	v1 =	vld.idx.msk [tilespmem:v1+s25+$0x30 ss:$0x1], $0xffff  }
0x70: {  	v11 =	vld.idx.msk [tilespmem:v11+s5+$0x0], $0xffff  }
0x71: {  	v13 =	vld.idx.msk [tilespmem:v13+s5+$0x0], $0xffff  }
0x72: {  	v15 =	vld.idx.msk [tilespmem:v15+s5+$0x0], $0xffff  }
0x73: {  	v17 =	vld.idx.msk [tilespmem:v17+s5+$0x0], $0xffff  }
0x74: {  	s24 =	sxor.u32 $0x2000, s24;
	v9 =	vadd.f32 v9, v0;
	v10 =	vmul.f32 v10, v10;
	v5 =	vsub.f32 v5, v8;
	v18 =	vld.idx.msk [tilespmem:v18+s5+$0x0], $0xffff  }
0x75: {  	s22 =	sor.u32 s23, s22;
	s30 =	sadd.s32 s4, s24;
	s24 =	sor.u32 $0x18740, s24;
	v3 =	vsub.f32 v3, v6;
	v19 =	vld.idx.msk [tilespmem:v19+s5+$0x0], $0xffff  }
0x76: {  	s22 =	sadd.s32 s22, s30;
	v0 =	vmov s24;
	v9 =	vadd.f32 v10, v9;
	v5 =	vmul.f32 v5, v5;
	v20 =	vld.idx.msk [tilespmem:v20+s5+$0x0], $0xffff  }
0x77: {  	v8 =	vld.idx.msk [tilespmem:v21+s5+$0x0], $0xffff;
	[tilespmem:s14], [sflag:$0x3] =	stream.strided.gather [hbm4b:s22+s11], $0x2000, s12, s11, $0x38  }
0x78: {  	v4 =	vsub.f32 v4, v7;
	v3 =	vmul.f32 v3, v3;
	v5 =	vadd.f32 v5, v9;
	_ =	swait.ge [sflag:s15], $0x2000  }
0x79: {  	[sflag:s15] =	ssyncset.done $0x0  }
0x7a: {  	s31 =	simm.s32 $0x0;
	v4 =	vmul.f32 v4, v4;
	v3 =	vadd.f32 v3, v5;
	[sflag:s15] =	ssyncadd.s32 $0xFFFFE000;
	v5 =	vsub.f32 v16, v11  }
0x7b: {  	v7 =	vld.idx.msk [tilespmem:v0+s31+$0xFFFFFFF0 ss:$0x1], $0xffff  }
0x7c: {  	v3 =	vadd.f32 v4, v3;
	v6 =	vld [tilespmem:s31+$0x1C700];
	v4 =	vmul.f32 v5, v5;
	v5 =	vsub.f32 v14, v13  }
0x7d: {  	v9 =	vld.idx.msk [tilespmem:v0+s31+$0xFFFFFFE0 ss:$0x1], $0xffff  }
0x7e: {  	v10 =	vld [tilespmem:s31+$0x1C710];
	v3 =	vadd.f32 v4, v3;
	v4 =	vmul.f32 v5, v5;
	v5 =	vsub.f32 v12, v15  }
0x7f: {  	v58 =	vld [tilespmem:s31+$0x1C720]  }
0x80: {  	v59 =	vld [tilespmem:s31+$0x1C730];
	v2 =	vsub.f32 v2, v17;
	v3 =	vadd.f32 v4, v3;
	v4 =	vmul.f32 v5, v5  }
0x81: {  	v60 =	vld [tilespmem:s31+$0x1C740]  }
0x82: {  	v61 =	vld [tilespmem:s31+$0x1C750];
	v2 =	vmul.f32 v2, v2;
	v3 =	vadd.f32 v4, v3;
	v4 =	vsub.f32 v22, v18  }
0x83: {  	v62 =	vld [tilespmem:s31+$0x1C760]  }
0x84: {  	v5 =	vld.idx.msk [tilespmem:v0+s31+$0xFFFFFFC0 ss:$0x1], $0xffff;
	v2 =	vadd.f32 v2, v3;
	v3 =	vmul.f32 v4, v4;
	v4 =	vsub.f32 v23, v19  }
0x85: {  	v6 =	vld.idx.msk [tilespmem:v6+s5+$0x0], $0xffff  }
0x86: {  	v11 =	vld.idx.msk [tilespmem:v0+s31+$0xFFFFFFD0 ss:$0x1], $0xffff;
	v2 =	vadd.f32 v3, v2;
	v3 =	vmul.f32 v4, v4;
	v4 =	vsub.f32 v24, v20  }
0x87: {  	v10 =	vld.idx.msk [tilespmem:v10+s5+$0x0], $0xffff  }
0x88: {  	v63 =	vld.idx.msk [tilespmem:v0+s31+$0x0 ss:$0x1], $0xffff;
	v1 =	vsub.f32 v1, v8;
	v2 =	vadd.f32 v3, v2;
	v3 =	vmul.f32 v4, v4  }
0x89: {  	v12 =	vld.idx.msk [tilespmem:v58+s5+$0x0], $0xffff  }
0x8a: {  	v8 =	vld [tilespmem:s31+$0x1C770];
	v1 =	vmul.f32 v1, v1;
	v2 =	vadd.f32 v3, v2;
	v3 =	vsub.f32 v5, v6  }
0x8b: {  	v4 =	vld.idx.msk [tilespmem:v59+s5+$0x0], $0xffff  }
0x8c: {  	v14 =	vld.idx.msk [tilespmem:v60+s5+$0x0], $0xffff;
	v6 =	vsub.f32 v11, v10;
	v1 =	vadd.f32 v1, v2;
	v3 =	vmul.f32 v3, v3  }
0x8d: {  	v5 =	vld.idx.msk [tilespmem:v61+s5+$0x0], $0xffff  }
0x8e: {  	v9 =	vsub.f32 v9, v12;
	v2 =	vld.idx.msk [tilespmem:v0+s31+$0x10 ss:$0x1], $0xffff;
	v10 =	vmul.f32 v6, v6;
	v1 =	vadd.f32 v3, v1  }
0x8f: {  	v6 =	vld.idx.msk [tilespmem:v62+s5+$0x0], $0xffff  }
0x90: {  	v9 =	vmul.f32 v9, v9;
	v3 =	vld.idx.msk [tilespmem:v0+s31+$0x20 ss:$0x1], $0xffff;
	v1 =	vadd.f32 v10, v1;
	v10 =	vsub.f32 v7, v4  }
0x91: {  	v4 =	vld.idx.msk [tilespmem:v0+s31+$0x30 ss:$0x1], $0xffff  }
0x92: {  	s22 =	simm.s32 $0x80;
	v7 =	vld.idx.msk [tilespmem:v8+s5+$0x0], $0xffff;
	v8 =	vadd.f32 v9, v1;
	v9 =	vmul.f32 v10, v10;
	v10 =	vsub.f32 v63, v14  }
0x93: {  	s23 =	simm.s32 $0x400;
	v1 =	vld.idx.msk [tilespmem:v0+s22+$0xFFFFFFF0 ss:$0x1], $0xffff  }
.LBB2_5:
0x94: {  	p1 =	sne.s32 s23, $0x7E00;
	v11 =	vld [tilespmem:s22+$0x1C700];
	v8 =	vadd.f32 v9, v8;
	v9 =	vmul.f32 v10, v10;
	v2 =	vsub.f32 v2, v5  }
0x95: {  	v5 =	vld.idx.msk [tilespmem:v0+s22+$0xFFFFFFE0 ss:$0x1], $0xffff  }
0x96: {  	v3 =	vsub.f32 v3, v6;
	v10 =	vld [tilespmem:s22+$0x1C710];
	v8 =	vadd.f32 v9, v8;
	v2 =	vmul.f32 v2, v2  }
0x97: {  	v6 =	vld.idx.msk [tilespmem:v0+s22+$0xFFFFFFD0 ss:$0x1], $0xffff  }
0x98: {  	v3 =	vmul.f32 v3, v3;
	v4 =	vsub.f32 v4, v7;
	v9 =	vld [tilespmem:s22+$0x1C720];
	v2 =	vadd.f32 v2, v8  }
0x99: {  	v7 =	vld.idx.msk [tilespmem:v0+s22+$0xFFFFFFC0 ss:$0x1], $0xffff  }
0x9a: {  	v8 =	vld [tilespmem:s22+$0x1C730];
	v2 =	vadd.f32 v3, v2;
	v3 =	vmul.f32 v4, v4  }
0x9b: {  	v4 =	vld [tilespmem:s22+$0x1C740]  }
0x9c: {  	v11 =	vld.idx.msk [tilespmem:v11+s5+$0x0], $0xffff;
	v3 =	vadd.f32 v3, v2  }
0x9d: {  	v12 =	vld [tilespmem:s22+$0x1C750]  }
0x9e: {  	v2 =	vld.idx.msk [tilespmem:v10+s5+$0x0], $0xffff  }
0x9f: {  	v10 =	vld [tilespmem:s22+$0x1C760]  }
0xa0: {  	v9 =	vld.idx.msk [tilespmem:v9+s5+$0x0], $0xffff  }
0xa1: {  	v13 =	vld [tilespmem:s22+$0x1C770]  }
0xa2: {  	v7 =	vsub.f32 v7, v11;
	v8 =	vld.idx.msk [tilespmem:v8+s5+$0x0], $0xffff  }
0xa3: {  	v11 =	vld.idx.msk [tilespmem:v0+s22+$0x0 ss:$0x1], $0xffff  }
0xa4: {  	v7 =	vmul.f32 v7, v7;
	v6 =	vsub.f32 v6, v2;
	v14 =	vld.idx.msk [tilespmem:v4+s5+$0x0], $0xffff  }
0xa5: {  	v2 =	vld.idx.msk [tilespmem:v0+s22+$0x10 ss:$0x1], $0xffff  }
0xa6: {  	v4 =	vadd.f32 v7, v3;
	v6 =	vmul.f32 v6, v6;
	v7 =	vsub.f32 v5, v9;
	v5 =	vld.idx.msk [tilespmem:v12+s5+$0x0], $0xffff  }
.Ltmp1:
0xa7: {  	v3 =	vld.idx.msk [tilespmem:v0+s22+$0x20 ss:$0x1], $0xffff;
	(pc) =	sbr.rel @p1 .LBB2_5-.Ltmp1, $4  }
0xa8: {  	v9 =	vadd.f32 v6, v4;
	v7 =	vmul.f32 v7, v7;
	v1 =	vsub.f32 v1, v8;
	v6 =	vld.idx.msk [tilespmem:v10+s5+$0x0], $0xffff  }
0xa9: {  	v4 =	vld.idx.msk [tilespmem:v0+s22+$0x30 ss:$0x1], $0xffff  }
0xaa: {  	s22 =	sshra.s32 s23, $0x2;
	v8 =	vadd.f32 v7, v9;
	v9 =	vmul.f32 v1, v1;
	v10 =	vsub.f32 v11, v14;
	v7 =	vld.idx.msk [tilespmem:v13+s5+$0x0], $0xffff  }
0xab: {  	s23 =	sadd.s32 $0x200, s23;
	v1 =	vld.idx.msk [tilespmem:v0+s22+$0xFFFFFFF0 ss:$0x1], $0xffff  }
0xac: {  	_ =	sdelay $0x2  }
0xad: {  	v11 =	vld [tilespmem:s22+$0x1C700]  }
0xae: {  	v12 =	vld.idx.msk [tilespmem:v0+s22+$0xFFFFFFE0 ss:$0x1], $0xffff  }
0xaf: {  	v13 =	vld [tilespmem:s22+$0x1C710]  }
0xb0: {  	v14 =	vld.idx.msk [tilespmem:v0+s22+$0xFFFFFFD0 ss:$0x1], $0xffff  }
0xb1: {  	v15 =	vld [tilespmem:s22+$0x1C720]  }
0xb2: {  	v16 =	vld.idx.msk [tilespmem:v0+s22+$0xFFFFFFC0 ss:$0x1], $0xffff  }
0xb3: {  	v17 =	vld [tilespmem:s22+$0x1C730]  }
0xb4: {  	v8 =	vadd.f32 v9, v8;
	v49 =	vmul.f32 v10, v10;
	v2 =	vsub.f32 v2, v5;
	v50 =	vld [tilespmem:s22+$0x1C740]  }
0xb5: {  	v51 =	vld.idx.msk [tilespmem:v11+s5+$0x0], $0xffff  }
0xb6: {  	v52 =	vld [tilespmem:s22+$0x1C750];
	v3 =	vsub.f32 v3, v6;
	v8 =	vadd.f32 v49, v8;
	v2 =	vmul.f32 v2, v2  }
0xb7: {  	v53 =	vld.idx.msk [tilespmem:v13+s5+$0x0], $0xffff  }
0xb8: {  	v54 =	vld [tilespmem:s22+$0x1C760];
	v3 =	vmul.f32 v3, v3;
	v4 =	vsub.f32 v4, v7;
	v2 =	vadd.f32 v2, v8  }
0xb9: {  	v55 =	vld.idx.msk [tilespmem:v15+s5+$0x0], $0xffff  }
0xba: {  	v57 =	vld [tilespmem:s22+$0x1C770];
	v2 =	vadd.f32 v3, v2;
	v3 =	vmul.f32 v4, v4;
	v56 =	vsub.f32 v16, v51  }
0xbb: {  	v58 =	vld.idx.msk [tilespmem:v17+s5+$0x0], $0xffff  }
0xbc: {  	v2 =	vadd.f32 v3, v2;
	v3 =	vld.idx.msk [tilespmem:v0+s22+$0x0 ss:$0x1], $0xffff;
	v9 =	vsub.f32 v14, v53;
	v4 =	vmul.f32 v56, v56  }
0xbd: {  	v5 =	vld.idx.msk [tilespmem:v50+s5+$0x0], $0xffff  }
0xbe: {  	v59 =	vld.idx.msk [tilespmem:v0+s22+$0x10 ss:$0x1], $0xffff;
	v8 =	vsub.f32 v12, v55;
	v60 =	vmul.f32 v9, v9;
	v2 =	vadd.f32 v4, v2  }
0xbf: {  	v6 =	vld.idx.msk [tilespmem:v52+s5+$0x0], $0xffff  }
0xc0: {  	v61 =	vld.idx.msk [tilespmem:v0+s22+$0x20 ss:$0x1], $0xffff;
	v1 =	vsub.f32 v1, v58;
	v62 =	vmul.f32 v8, v8;
	v2 =	vadd.f32 v60, v2  }
0xc1: {  	v7 =	vld.idx.msk [tilespmem:v54+s5+$0x0], $0xffff  }
0xc2: {  	v0 =	vld.idx.msk [tilespmem:v0+s22+$0x30 ss:$0x1], $0xffff;
	v3 =	vsub.f32 v3, v5;
	v1 =	vmul.f32 v1, v1;
	v2 =	vadd.f32 v62, v2  }
0xc3: {  	v63 =	vld.idx.msk [tilespmem:v57+s5+$0x0], $0xffff  }
0xc4: {  	v1 =	vadd.f32 v1, v2;
	v2 =	vmul.f32 v3, v3;
	v3 =	vsub.f32 v59, v6;
	_ =	sdelay $0x1  }
0xc5: {  	s21 =	sadd.s32 $0x1, s21;
	v1 =	vadd.f32 v2, v1;
	v2 =	vmul.f32 v3, v3;
	v3 =	vsub.f32 v61, v7  }
0xc6: {  	p1 =	sne.s32 s21, $0xD  }
.Ltmp2:
0xc7: {  	v0 =	vsub.f32 v0, v63;
	v1 =	vadd.f32 v2, v1;
	v2 =	vmul.f32 v3, v3;
	(pc) =	sbr.rel @p1 .LBB2_2-.Ltmp2, $3  }
0xc8: {  	_ = 	snop  }
0xc9: {  	v0 =	vmul.f32 v0, v0;
	v1 =	vadd.f32 v2, v1;
	_ =	sdelay $0x1  }
0xca: {  	p0 =	por !p0, !p0;
	v0 =	vadd.f32 v0, v1  }
0xcb: {  	[tilespmem:s17], [sflag:$0x3] =	stream.linear.gather [hbm4b:s7+s5], $0x200, $0x38;
	[tilespmem:$0x1E980] =	vst v63  }
0xcc: {  	_ =	swait.ge [sflag:s15], $0x200  }
0xcd: {  	[sflag:s15] =	ssyncset.done $0x0  }
0xce: {  	[sflag:s15] =	ssyncadd.s32 $0xFFFFFE00  }
0xcf: {  	v1 =	vld [tilespmem:$0x1E700];
	_ =	sdelay $0x1  }
0xd0: {  	v2 =	vld [tilespmem:$0x1E710];
	_ =	sdelay $0x1  }
0xd1: {  	v3 =	vld [tilespmem:$0x1E720]  }
0xd2: {  	v1 =	vadd.f32 $0.0e+00, v1  }
0xd3: {  	v4 =	vld [tilespmem:$0x1E730]  }
0xd4: {  	v1 =	vadd.f32 v2, v1  }
0xd5: {  	v36 =	vld [tilespmem:$0x1E740]  }
0xd6: {  	v1 =	vadd.f32 v3, v1  }
0xd7: {  	v37 =	vld [tilespmem:$0x1E750]  }
0xd8: {  	v1 =	vadd.f32 v4, v1  }
0xd9: {  	v38 =	vld [tilespmem:$0x1E760]  }
0xda: {  	v1 =	vadd.f32 v36, v1  }
0xdb: {  	v39 =	vld [tilespmem:$0x1E770]  }
0xdc: {  	v1 =	vadd.f32 v37, v1  }
0xdd: {  	v40 =	vld [tilespmem:$0x1E780]  }
0xde: {  	v1 =	vadd.f32 v38, v1  }
0xdf: {  	v41 =	vld [tilespmem:$0x1E790]  }
0xe0: {  	v1 =	vadd.f32 v39, v1  }
0xe1: {  	v42 =	vld [tilespmem:$0x1E7A0]  }
0xe2: {  	v1 =	vadd.f32 v40, v1  }
0xe3: {  	v43 =	vld [tilespmem:$0x1E7B0]  }
0xe4: {  	v1 =	vadd.f32 v41, v1  }
0xe5: {  	v44 =	vld [tilespmem:$0x1E7C0]  }
0xe6: {  	v1 =	vadd.f32 v42, v1  }
0xe7: {  	v45 =	vld [tilespmem:$0x1E7D0]  }
0xe8: {  	v1 =	vadd.f32 v43, v1  }
0xe9: {  	v46 =	vld [tilespmem:$0x1E7E0]  }
0xea: {  	v1 =	vadd.f32 v44, v1  }
0xeb: {  	v47 =	vld [tilespmem:$0x1E7F0]  }
0xec: {  	v1 =	vadd.f32 v45, v1  }
0xed: {  	v48 =	vld [tilespmem:$0x1E800]  }
0xee: {  	v1 =	vadd.f32 v46, v1  }
0xef: {  	v49 =	vld [tilespmem:$0x1E810]  }
0xf0: {  	v1 =	vadd.f32 v47, v1  }
0xf1: {  	v50 =	vld [tilespmem:$0x1E820]  }
0xf2: {  	v1 =	vadd.f32 v48, v1  }
0xf3: {  	v51 =	vld [tilespmem:$0x1E830]  }
0xf4: {  	v1 =	vadd.f32 v49, v1  }
0xf5: {  	v52 =	vld [tilespmem:$0x1E840]  }
0xf6: {  	v1 =	vadd.f32 v50, v1  }
0xf7: {  	v53 =	vld [tilespmem:$0x1E850]  }
0xf8: {  	v1 =	vadd.f32 v51, v1  }
0xf9: {  	v54 =	vld [tilespmem:$0x1E860]  }
0xfa: {  	v1 =	vadd.f32 v52, v1  }
0xfb: {  	v55 =	vld [tilespmem:$0x1E870]  }
0xfc: {  	v1 =	vadd.f32 v53, v1  }
0xfd: {  	v56 =	vld [tilespmem:$0x1E880]  }
0xfe: {  	v1 =	vadd.f32 v54, v1  }
0xff: {  	v57 =	vld [tilespmem:$0x1E890]  }
0x100: {  	v1 =	vadd.f32 v55, v1  }
0x101: {  	v58 =	vld [tilespmem:$0x1E8A0]  }
0x102: {  	v1 =	vadd.f32 v56, v1  }
0x103: {  	v59 =	vld [tilespmem:$0x1E8B0]  }
0x104: {  	v1 =	vadd.f32 v57, v1  }
0x105: {  	v60 =	vld [tilespmem:$0x1E8C0]  }
0x106: {  	v1 =	vadd.f32 v58, v1  }
0x107: {  	v61 =	vld [tilespmem:$0x1E8D0]  }
0x108: {  	v1 =	vadd.f32 v59, v1  }
0x109: {  	v62 =	vld [tilespmem:$0x1E8E0]  }
0x10a: {  	v1 =	vadd.f32 v60, v1  }
0x10b: {  	v63 =	vld [tilespmem:$0x1E8F0]  }
0x10c: {  	v1 =	vadd.f32 v61, v1;
	_ =	sdelay $0x1  }
0x10d: {  	v1 =	vadd.f32 v62, v1;
	_ =	sdelay $0x1  }
0x10e: {  	v0 =	vmul.f32 $5.000000000e-01, v0;
	v1 =	vadd.f32 v63, v1;
	_ =	sdelay $0x1  }
0x10f: {  	s19 =	sadd.s32 $0x1, s19;
	v0 =	vsub.f32 v0, v1  }
0x110: {  	p0 =	sne.s32 s19, s9  }
.Ltmp3:
0x111: {  	[tilespmem:$0x1E900] =	vst v0;
	(pc) =	sbr.rel @p0 .LBB2_1-.Ltmp3, $4  }
0x112: {  	[hbm4b:s8+s5] =	stream.linear.scatter [tilespmem:s18], [sflag:$0x3], $0x80, $0x38;
	[tilespmem:$0x1E980] =	vst v63  }
0x113: {  	_ =	swait.ge [sflag:s15], $0x80  }
0x114: {  	[sflag:s15] =	ssyncset.done $0x0  }
0x115: {  	[sflag:s15] =	ssyncadd.s32 $0xFFFFFF80  }
0x116: {  	_ =	sfence.sel $0x180000  }
0x117: {  	[bflag:$0x0] =	sbarrier.arrive $0xFFFF  }
0x118: {  	p0 =	sne.s32 s3, $0x0;
	_ =	strace $0x90000047  }
0x119: {  	s0 =	sadd.s32 @!p0 $0x100000, s0;
	[bflag:$0x2] =	sbarrier.arrive $0xFFFF  }
0x11a: {  	[sflag:s0] =	ssyncadd.tile.s32 @!p0 $0x1;
	_ =	shalt  }
.Lfunc_end2:
_tile_overlayer_lowered:
.L_overlay_start_2:
0x11b: {  	(tag) =	ssettag $0x2  }
0x11c: {  	s0 =	rddreg [dreg:$0x0];
	s2 =	stileid.u32  }
0x11d: {  	s1 =	rddreg [dreg:$0x1];
	p0 =	sne.s32 s2, $0x0  }
0x11e: {  	s3 =	rddreg [dreg:$0x2];
	[bflag:$0x3] =	sbarrier.arrive $0xFFFF;
	s2 =	simm.s32 @!p0 $0x1C03  }
0x11f: {  	[timem:s3], [sflag:s2] =	dma.local @!p0 [hbm:s0], s1  }
0x120: {  	s0 =	simm.s32 @!p0 $0x3  }
0x121: {  	_ =	swait.ge @!p0 [sflag:s0], s1  }
0x122: {  	s1 =	ssub.s32 @!p0 $0x0, s1;
	[sflag:s0] =	ssyncset.done @!p0 $0x0  }
0x123: {  	[sflag:s0] =	ssyncadd.s32 @!p0 s1  }
0x124: {  	[bflag:$0x3] =	sbarrier.arrive $0xFFFF  }
0x125: {  	_ =	shalt  }

</sc_bundles>
